<compile_context>
chip_gen: v7x
topology: tpu7x:2x2x1
jax: 0.10.2.dev20260603
libtpu: 0.0.44.dev20260713+nightly
codegen_flags: <defaults>
</compile_context>

<pallas_src>
import functools

import jax
import jax.numpy as jnp
from jax import lax
from jax.experimental import pallas as pl
from jax.experimental.pallas import tpu as pltpu
from jax.experimental.pallas import tpu_sc as plsc

DIM = 64
B = 4096
L = 50
NB = B * L
NC = 2
NS = 16
NW = NC * NS
BPW = NB // NW
CW = 400
NCHUNK = BPW // CW
NBUF = 4

_mesh = plsc.VectorSubcoreMesh(core_axis_name="c", subcore_axis_name="s")


@functools.partial(
    pl.kernel,
    mesh=_mesh,
    out_type=jax.ShapeDtypeStruct((NB, DIM), jnp.float32),
    scratch_types=[
        pltpu.VMEM((BPW,), jnp.int32),
        pltpu.VMEM((NBUF, CW, DIM), jnp.float32),
        pltpu.SemaphoreType.DMA,
        pltpu.SemaphoreType.DMA,
        pltpu.SemaphoreType.DMA,
    ],
    compiler_params=pltpu.CompilerParams(use_tc_tiling_on_sc=False),
)
def _embed_gather(idx_hbm, table_hbm, out_hbm, idx_v, rows_v, gsem, osem, isem):
    wid = lax.axis_index("s") * NC + lax.axis_index("c")
    base = wid * BPW

    head = (NBUF - 1) * CW
    pltpu.sync_copy(idx_hbm.at[pl.ds(base, head)], idx_v.at[pl.ds(0, head)])
    for b in range(NBUF - 1):
        pltpu.async_copy(
            table_hbm.at[idx_v.at[pl.ds(b * CW, CW)]], rows_v.at[b], gsem
        )
    pltpu.async_copy(
        idx_hbm.at[pl.ds(base + head, BPW - head)],
        idx_v.at[pl.ds(head, BPW - head)],
        isem,
    ).wait()

    def body(i, carry):
        for b in range(NBUF):
            j = i * NBUF + b
            pltpu.make_async_copy(
                table_hbm.at[idx_v.at[pl.ds(0, CW)]], rows_v.at[b], gsem
            ).wait()
            pltpu.async_copy(
                rows_v.at[b], out_hbm.at[pl.ds(base + j * CW, CW)], osem
            )
            @pl.when(j > 0)
            def _():
                pltpu.make_async_copy(
                    rows_v.at[(b - 1) % NBUF],
                    out_hbm.at[pl.ds(base, CW)],
                    osem,
                ).wait()

            nxt = j + NBUF - 1

            @pl.when(nxt < NCHUNK)
            def _():
                pltpu.async_copy(
                    table_hbm.at[idx_v.at[pl.ds(nxt * CW, CW)]],
                    rows_v.at[(b - 1) % NBUF],
                    gsem,
                )

        return carry

    lax.fori_loop(0, NCHUNK // NBUF, body, 0)
    pltpu.make_async_copy(
        rows_v.at[(NCHUNK - 1) % NBUF], out_hbm.at[pl.ds(base, CW)], osem
    ).wait()


def kernel(x, weight):
    idx = x.reshape(NB).astype(jnp.int32)
    out = _embed_gather(idx, weight)
    return out.reshape(B, L, DIM)

# --- scband reference (transcript-rebuilt; emitter-appended) ---
"""Pipeline reference for scband-parallel-embedding-5523327943221 (READ-ONLY COPY).

The authoritative reference and input builder live on the scoring server;
editing this copy changes nothing except your own understanding.
"""

import jax, jax.numpy as jnp
import numpy as np

VOCAB = 1000000
DIM = 64
B = 4096
L = 50


def setup_inputs(seed: int = 0) -> dict:
    key = jax.random.key(seed)
    k1, k2 = jax.random.split(key)
    x = jax.random.randint(k1, (B, L), 0, VOCAB, dtype=jnp.int64 if jax.config.jax_enable_x64 else jnp.int32)
    weight = jax.random.normal(k2, (VOCAB, DIM), dtype=jnp.float32) * 0.02
    return {"x": x, "weight": weight}


def reference(x, weight):
    # ParallelEmbedding.forward with world_size=1 (single shard):
    # parallel_embed reduces to a plain embedding lookup F.embedding(x, weight).
    y = jnp.take(weight, x, axis=0)
    return y

if __name__ == "__main__":
    import jax
    _d = setup_inputs()
    print(jax.jit(kernel)(*tuple(_d.values())))

</pallas_src>

<mosaic_0001>
#map = affine_map<(d0, d1) -> (0)>
#map1 = affine_map<(d0, d1) -> (0, 0)>
module attributes {stable_mosaic.version = 14 : i64} {
  func.func @_embed_gather(%arg0: i32, %arg1: i32, %arg2: memref<204800xi32, #tpu.memory_space<hbm>>, %arg3: memref<1000000x64xf32, #tpu.memory_space<hbm>>, %arg4: memref<204800x64xf32, #tpu.memory_space<hbm>>, %arg5: memref<6400xi32, #tpu.memory_space<vmem>>, %arg6: memref<4x400x64xf32, #tpu.memory_space<vmem>>, %arg7: memref<!tpu.dma_semaphore, #tpu.memory_space<semaphore_mem>>, %arg8: memref<!tpu.dma_semaphore, #tpu.memory_space<semaphore_mem>>, %arg9: memref<!tpu.dma_semaphore, #tpu.memory_space<semaphore_mem>>) attributes {dimension_semantics = [#tpu.dimension_semantics<core_parallel>, #tpu.dimension_semantics<subcore_parallel>], iteration_bounds = array<i64: 2, 16>, scalar_prefetch = 0 : i64, scratch_operands = 5 : i64, tpu.core_type = #tpu.core_type<sc_vector_subcore>, window_params = [{transform_indices = #map}, {transform_indices = #map1}, {transform_indices = #map1}]} {
    %mul3A = arith.constant 2 : i32
    %mul3A_0 = arith.muli %arg1, %mul3A : i32
    %add3A = arith.addi %mul3A_0, %arg0 : i32
    %mul3A_1 = arith.constant 6400 : i32
    %mul3A_2 = arith.muli %add3A, %mul3A_1 : i32
    "tpu.region"() ({
      %run_scoped3A = tpu.sem_alloc : memref<!tpu.dma_semaphore, #tpu.memory_space<semaphore_mem>>
      %dma_start3A_63 = arith.constant 0 : i32
      %dma_start3A_64 = tpu.memref_slice %arg5[%dma_start3A_63] : memref<6400xi32, #tpu.memory_space<vmem>> -> memref<1200xi32, #tpu.memory_space<vmem>>
      %dma_start3A_65 = tpu.memref_slice %arg2[%mul3A_2] : memref<204800xi32, #tpu.memory_space<hbm>> -> memref<1200xi32, #tpu.memory_space<hbm>>
      %dma_start3A_66 = arith.constant 0 : i32
      %dma_start3A_67 = tpu.memref_slice %arg5[%dma_start3A_66] : memref<6400xi32, #tpu.memory_space<vmem>> -> memref<1200xi32, #tpu.memory_space<vmem>>
      %dma_start3A_68 = tpu.memref_slice %arg2[%mul3A_2] : memref<204800xi32, #tpu.memory_space<hbm>> -> memref<1200xi32, #tpu.memory_space<hbm>>
      tpu.enqueue_dma source(%dma_start3A_68 : memref<1200xi32, #tpu.memory_space<hbm>>) target(%dma_start3A_67 : memref<1200xi32, #tpu.memory_space<vmem>>) target_semaphore(%run_scoped3A : memref<!tpu.dma_semaphore, #tpu.memory_space<semaphore_mem>>)
      %dma_wait3A_69 = arith.constant 0 : i32
      %dma_wait3A_70 = tpu.memref_slice %arg5[%dma_wait3A_69] : memref<6400xi32, #tpu.memory_space<vmem>> -> memref<1200xi32, #tpu.memory_space<vmem>>
      %dma_wait3A_71 = tpu.memref_slice %arg2[%mul3A_2] : memref<204800xi32, #tpu.memory_space<hbm>> -> memref<1200xi32, #tpu.memory_space<hbm>>
      %dma_wait3A_72 = arith.constant 0 : i32
      %dma_wait3A_73 = tpu.memref_slice %arg5[%dma_wait3A_72] : memref<6400xi32, #tpu.memory_space<vmem>> -> memref<1200xi32, #tpu.memory_space<vmem>>
      %dma_wait3A_74 = tpu.memref_slice %arg2[%mul3A_2] : memref<204800xi32, #tpu.memory_space<hbm>> -> memref<1200xi32, #tpu.memory_space<hbm>>
      tpu.wait_dma2 semaphore(%run_scoped3A : memref<!tpu.dma_semaphore, #tpu.memory_space<semaphore_mem>>) src(%dma_wait3A_74 : memref<1200xi32, #tpu.memory_space<hbm>>) dst(%dma_wait3A_73 : memref<1200xi32, #tpu.memory_space<vmem>>)
      tpu.yield
    }) : () -> ()
    %dma_start3A = arith.constant 0 : i32
    %dma_start3A_3 = arith.constant 0 : i32
    %dma_start3A_4 = arith.constant 0 : i32
    %dma_start3A_5 = tpu.memref_slice %arg6[%dma_start3A, %dma_start3A_3, %dma_start3A_4] : memref<4x400x64xf32, #tpu.memory_space<vmem>> -> memref<1x400x64xf32, #tpu.memory_space<vmem>>
    %dma_start3A_6 = tpu.memref_squeeze %dma_start3A_5 : memref<1x400x64xf32, #tpu.memory_space<vmem>> -> memref<400x64xf32, #tpu.memory_space<vmem>>
    %dma_start3A_7 = arith.constant 0 : i32
    %dma_start3A_8 = tpu.memref_slice %arg5[%dma_start3A_7] : memref<6400xi32, #tpu.memory_space<vmem>> -> memref<400xi32, #tpu.memory_space<vmem>>
    %dma_start3A_9 = arith.constant 0 : i32
    %dma_start3A_10 = arith.constant 0 : i32
    %dma_start3A_11 = tpu.memref_slice %arg3[%dma_start3A_9, %dma_start3A_10] : memref<1000000x64xf32, #tpu.memory_space<hbm>> -> memref<1000000x64xf32, #tpu.memory_space<hbm>>
    tpu.enqueue_indirect_dma source(%dma_start3A_11 : memref<1000000x64xf32, #tpu.memory_space<hbm>>) target(%dma_start3A_6 : memref<400x64xf32, #tpu.memory_space<vmem>>) offsets(%dma_start3A_8 : memref<400xi32, #tpu.memory_space<vmem>>) semaphore(%arg7 : memref<!tpu.dma_semaphore, #tpu.memory_space<semaphore_mem>>)
    %dma_start3A_12 = arith.constant 1 : i32
    %dma_start3A_13 = arith.constant 0 : i32
    %dma_start3A_14 = arith.constant 0 : i32
    %dma_start3A_15 = tpu.memref_slice %arg6[%dma_start3A_12, %dma_start3A_13, %dma_start3A_14] : memref<4x400x64xf32, #tpu.memory_space<vmem>> -> memref<1x400x64xf32, #tpu.memory_space<vmem>>
    %dma_start3A_16 = tpu.memref_squeeze %dma_start3A_15 : memref<1x400x64xf32, #tpu.memory_space<vmem>> -> memref<400x64xf32, #tpu.memory_space<vmem>>
    %dma_start3A_17 = arith.constant 400 : i32
    %dma_start3A_18 = tpu.memref_slice %arg5[%dma_start3A_17] : memref<6400xi32, #tpu.memory_space<vmem>> -> memref<400xi32, #tpu.memory_space<vmem>>
    %dma_start3A_19 = arith.constant 0 : i32
    %dma_start3A_20 = arith.constant 0 : i32
    %dma_start3A_21 = tpu.memref_slice %arg3[%dma_start3A_19, %dma_start3A_20] : memref<1000000x64xf32, #tpu.memory_space<hbm>> -> memref<1000000x64xf32, #tpu.memory_space<hbm>>
    tpu.enqueue_indirect_dma source(%dma_start3A_21 : memref<1000000x64xf32, #tpu.memory_space<hbm>>) target(%dma_start3A_16 : memref<400x64xf32, #tpu.memory_space<vmem>>) offsets(%dma_start3A_18 : memref<400xi32, #tpu.memory_space<vmem>>) semaphore(%arg7 : memref<!tpu.dma_semaphore, #tpu.memory_space<semaphore_mem>>)
    %dma_start3A_22 = arith.constant 2 : i32
    %dma_start3A_23 = arith.constant 0 : i32
    %dma_start3A_24 = arith.constant 0 : i32
    %dma_start3A_25 = tpu.memref_slice %arg6[%dma_start3A_22, %dma_start3A_23, %dma_start3A_24] : memref<4x400x64xf32, #tpu.memory_space<vmem>> -> memref<1x400x64xf32, #tpu.memory_space<vmem>>
    %dma_start3A_26 = tpu.memref_squeeze %dma_start3A_25 : memref<1x400x64xf32, #tpu.memory_space<vmem>> -> memref<400x64xf32, #tpu.memory_space<vmem>>
    %dma_start3A_27 = arith.constant 800 : i32
    %dma_start3A_28 = tpu.memref_slice %arg5[%dma_start3A_27] : memref<6400xi32, #tpu.memory_space<vmem>> -> memref<400xi32, #tpu.memory_space<vmem>>
    %dma_start3A_29 = arith.constant 0 : i32
    %dma_start3A_30 = arith.constant 0 : i32
    %dma_start3A_31 = tpu.memref_slice %arg3[%dma_start3A_29, %dma_start3A_30] : memref<1000000x64xf32, #tpu.memory_space<hbm>> -> memref<1000000x64xf32, #tpu.memory_space<hbm>>
    tpu.enqueue_indirect_dma source(%dma_start3A_31 : memref<1000000x64xf32, #tpu.memory_space<hbm>>) target(%dma_start3A_26 : memref<400x64xf32, #tpu.memory_space<vmem>>) offsets(%dma_start3A_28 : memref<400xi32, #tpu.memory_space<vmem>>) semaphore(%arg7 : memref<!tpu.dma_semaphore, #tpu.memory_space<semaphore_mem>>)
    %add3A_32 = arith.constant 1200 : i32
    %add3A_33 = arith.addi %mul3A_2, %add3A_32 : i32
    %dma_start3A_34 = arith.constant 1200 : i32
    %dma_start3A_35 = tpu.memref_slice %arg5[%dma_start3A_34] : memref<6400xi32, #tpu.memory_space<vmem>> -> memref<5200xi32, #tpu.memory_space<vmem>>
    %dma_start3A_36 = tpu.memref_slice %arg2[%add3A_33] : memref<204800xi32, #tpu.memory_space<hbm>> -> memref<5200xi32, #tpu.memory_space<hbm>>
    %dma_start3A_37 = arith.constant 1200 : i32
    %dma_start3A_38 = tpu.memref_slice %arg5[%dma_start3A_37] : memref<6400xi32, #tpu.memory_space<vmem>> -> memref<5200xi32, #tpu.memory_space<vmem>>
    %dma_start3A_39 = tpu.memref_slice %arg2[%add3A_33] : memref<204800xi32, #tpu.memory_space<hbm>> -> memref<5200xi32, #tpu.memory_space<hbm>>
    tpu.enqueue_dma source(%dma_start3A_39 : memref<5200xi32, #tpu.memory_space<hbm>>) target(%dma_start3A_38 : memref<5200xi32, #tpu.memory_space<vmem>>) target_semaphore(%arg9 : memref<!tpu.dma_semaphore, #tpu.memory_space<semaphore_mem>>)
    %dma_wait3A = arith.constant 1200 : i32
    %dma_wait3A_40 = tpu.memref_slice %arg5[%dma_wait3A] : memref<6400xi32, #tpu.memory_space<vmem>> -> memref<5200xi32, #tpu.memory_space<vmem>>
    %dma_wait3A_41 = tpu.memref_slice %arg2[%add3A_33] : memref<204800xi32, #tpu.memory_space<hbm>> -> memref<5200xi32, #tpu.memory_space<hbm>>
    %dma_wait3A_42 = arith.constant 1200 : i32
    %dma_wait3A_43 = tpu.memref_slice %arg5[%dma_wait3A_42] : memref<6400xi32, #tpu.memory_space<vmem>> -> memref<5200xi32, #tpu.memory_space<vmem>>
    %dma_wait3A_44 = tpu.memref_slice %arg2[%add3A_33] : memref<204800xi32, #tpu.memory_space<hbm>> -> memref<5200xi32, #tpu.memory_space<hbm>>
    tpu.wait_dma2 semaphore(%arg9 : memref<!tpu.dma_semaphore, #tpu.memory_space<semaphore_mem>>) src(%dma_wait3A_44 : memref<5200xi32, #tpu.memory_space<hbm>>) dst(%dma_wait3A_43 : memref<5200xi32, #tpu.memory_space<vmem>>)
    %scan3A = arith.constant 0 : i32
    %scan3A_45 = arith.constant 0 : i32
    %scan3A_46 = arith.constant 4 : i32
    %scan3A_47 = arith.addi %scan3A_45, %scan3A_46 : i32
    %scan3A_48 = arith.constant 1 : i32
    scf.for %scan3A_63 = %scan3A_45 to %scan3A_47 step %scan3A_48  : i32 {
      %mul3A_64 = arith.constant 4 : i32
      %mul3A_65 = arith.muli %scan3A_63, %mul3A_64 : i32
      %add3A_66 = arith.constant 0 : i32
      %add3A_67 = arith.addi %mul3A_65, %add3A_66 : i32
      %dma_wait3A_68 = arith.constant 0 : i32
      %dma_wait3A_69 = arith.constant 0 : i32
      %dma_wait3A_70 = arith.constant 0 : i32
      %dma_wait3A_71 = tpu.memref_slice %arg6[%dma_wait3A_68, %dma_wait3A_69, %dma_wait3A_70] : memref<4x400x64xf32, #tpu.memory_space<vmem>> -> memref<1x400x64xf32, #tpu.memory_space<vmem>>
      %dma_wait3A_72 = tpu.memref_squeeze %dma_wait3A_71 : memref<1x400x64xf32, #tpu.memory_space<vmem>> -> memref<400x64xf32, #tpu.memory_space<vmem>>
      %dma_wait3A_73 = arith.constant 0 : i32
      %dma_wait3A_74 = tpu.memref_slice %arg5[%dma_wait3A_73] : memref<6400xi32, #tpu.memory_space<vmem>> -> memref<400xi32, #tpu.memory_space<vmem>>
      %dma_wait3A_75 = arith.constant 0 : i32
      %dma_wait3A_76 = arith.constant 0 : i32
      %dma_wait3A_77 = tpu.memref_slice %arg3[%dma_wait3A_75, %dma_wait3A_76] : memref<1000000x64xf32, #tpu.memory_space<hbm>> -> memref<1000000x64xf32, #tpu.memory_space<hbm>>
      tpu.wait_indirect_dma semaphore(%arg7 : memref<!tpu.dma_semaphore, #tpu.memory_space<semaphore_mem>>) src(%dma_wait3A_77 : memref<1000000x64xf32, #tpu.memory_space<hbm>>) dst(%dma_wait3A_72 : memref<400x64xf32, #tpu.memory_space<vmem>>)
      %mul3A_78 = arith.constant 400 : i32
      %mul3A_79 = arith.muli %add3A_67, %mul3A_78 : i32
      %add3A_80 = arith.addi %mul3A_2, %mul3A_79 : i32
      %dma_start3A_81 = arith.constant 0 : i32
      %dma_start3A_82 = arith.constant 0 : i32
      %dma_start3A_83 = arith.constant 0 : i32
      %dma_start3A_84 = tpu.memref_slice %arg6[%dma_start3A_81, %dma_start3A_82, %dma_start3A_83] : memref<4x400x64xf32, #tpu.memory_space<vmem>> -> memref<1x400x64xf32, #tpu.memory_space<vmem>>
      %dma_start3A_85 = tpu.memref_squeeze %dma_start3A_84 : memref<1x400x64xf32, #tpu.memory_space<vmem>> -> memref<400x64xf32, #tpu.memory_space<vmem>>
      %dma_start3A_86 = arith.constant 0 : i32
      %dma_start3A_87 = tpu.memref_slice %arg4[%add3A_80, %dma_start3A_86] : memref<204800x64xf32, #tpu.memory_space<hbm>> -> memref<400x64xf32, #tpu.memory_space<hbm>>
      %dma_start3A_88 = arith.constant 0 : i32
      %dma_start3A_89 = tpu.memref_slice %arg4[%add3A_80, %dma_start3A_88] : memref<204800x64xf32, #tpu.memory_space<hbm>> -> memref<400x64xf32, #tpu.memory_space<hbm>>
      %dma_start3A_90 = arith.constant 0 : i32
      %dma_start3A_91 = arith.constant 0 : i32
      %dma_start3A_92 = tpu.memref_slice %arg6[%dma_start3A_81, %dma_start3A_90, %dma_start3A_91] : memref<4x400x64xf32, #tpu.memory_space<vmem>> -> memref<1x400x64xf32, #tpu.memory_space<vmem>>
      %dma_start3A_93 = tpu.memref_squeeze %dma_start3A_92 : memref<1x400x64xf32, #tpu.memory_space<vmem>> -> memref<400x64xf32, #tpu.memory_space<vmem>>
      tpu.enqueue_dma source(%dma_start3A_93 : memref<400x64xf32, #tpu.memory_space<vmem>>) target(%dma_start3A_89 : memref<400x64xf32, #tpu.memory_space<hbm>>) target_semaphore(%arg8 : memref<!tpu.dma_semaphore, #tpu.memory_space<semaphore_mem>>)
      %gt3A = arith.constant 0 : i32
      %gt3A_94 = arith.cmpi sgt, %add3A_67, %gt3A : i32
      %convert_element_type3A = arith.extui %gt3A_94 : i1 to i32
      %cond3A = arith.constant 0 : i32
      %cond3A_95 = arith.cmpi ne, %convert_element_type3A, %cond3A : i32
      scf.if %cond3A_95 {
        %dma_wait3A_235 = arith.constant 3 : i32
        %dma_wait3A_236 = arith.constant 0 : i32
        %dma_wait3A_237 = arith.constant 0 : i32
        %dma_wait3A_238 = tpu.memref_slice %arg6[%dma_wait3A_235, %dma_wait3A_236, %dma_wait3A_237] : memref<4x400x64xf32, #tpu.memory_space<vmem>> -> memref<1x400x64xf32, #tpu.memory_space<vmem>>
        %dma_wait3A_239 = tpu.memref_squeeze %dma_wait3A_238 : memref<1x400x64xf32, #tpu.memory_space<vmem>> -> memref<400x64xf32, #tpu.memory_space<vmem>>
        %dma_wait3A_240 = arith.constant 0 : i32
        %dma_wait3A_241 = tpu.memref_slice %arg4[%mul3A_2, %dma_wait3A_240] : memref<204800x64xf32, #tpu.memory_space<hbm>> -> memref<400x64xf32, #tpu.memory_space<hbm>>
        %dma_wait3A_242 = arith.constant 0 : i32
        %dma_wait3A_243 = tpu.memref_slice %arg4[%mul3A_2, %dma_wait3A_242] : memref<204800x64xf32, #tpu.memory_space<hbm>> -> memref<400x64xf32, #tpu.memory_space<hbm>>
        %dma_wait3A_244 = arith.constant 0 : i32
        %dma_wait3A_245 = arith.constant 0 : i32
        %dma_wait3A_246 = tpu.memref_slice %arg6[%dma_wait3A_235, %dma_wait3A_244, %dma_wait3A_245] : memref<4x400x64xf32, #tpu.memory_space<vmem>> -> memref<1x400x64xf32, #tpu.memory_space<vmem>>
        %dma_wait3A_247 = tpu.memref_squeeze %dma_wait3A_246 : memref<1x400x64xf32, #tpu.memory_space<vmem>> -> memref<400x64xf32, #tpu.memory_space<vmem>>
        tpu.wait_dma2 semaphore(%arg8 : memref<!tpu.dma_semaphore, #tpu.memory_space<semaphore_mem>>) src(%dma_wait3A_247 : memref<400x64xf32, #tpu.memory_space<vmem>>) dst(%dma_wait3A_243 : memref<400x64xf32, #tpu.memory_space<hbm>>)
      } else {
      }
      %add3A_96 = arith.constant 4 : i32
      %add3A_97 = arith.addi %add3A_67, %add3A_96 : i32
      %sub3A = arith.constant 1 : i32
      %sub3A_98 = arith.subi %add3A_97, %sub3A : i32
      %lt3A = arith.constant 16 : i32
      %lt3A_99 = arith.cmpi slt, %sub3A_98, %lt3A : i32
      %convert_element_type3A_100 = arith.extui %lt3A_99 : i1 to i32
      %cond3A_101 = arith.constant 0 : i32
      %cond3A_102 = arith.cmpi ne, %convert_element_type3A_100, %cond3A_101 : i32
      scf.if %cond3A_102 {
        %mul3A_235 = arith.constant 400 : i32
        %mul3A_236 = arith.muli %sub3A_98, %mul3A_235 : i32
        %dma_start3A_237 = arith.constant 3 : i32
        %dma_start3A_238 = arith.constant 0 : i32
        %dma_start3A_239 = arith.constant 0 : i32
        %dma_start3A_240 = tpu.memref_slice %arg6[%dma_start3A_237, %dma_start3A_238, %dma_start3A_239] : memref<4x400x64xf32, #tpu.memory_space<vmem>> -> memref<1x400x64xf32, #tpu.memory_space<vmem>>
        %dma_start3A_241 = tpu.memref_squeeze %dma_start3A_240 : memref<1x400x64xf32, #tpu.memory_space<vmem>> -> memref<400x64xf32, #tpu.memory_space<vmem>>
        %dma_start3A_242 = tpu.memref_slice %arg5[%mul3A_236] : memref<6400xi32, #tpu.memory_space<vmem>> -> memref<400xi32, #tpu.memory_space<vmem>>
        %dma_start3A_243 = arith.constant 0 : i32
        %dma_start3A_244 = arith.constant 0 : i32
        %dma_start3A_245 = tpu.memref_slice %arg3[%dma_start3A_243, %dma_start3A_244] : memref<1000000x64xf32, #tpu.memory_space<hbm>> -> memref<1000000x64xf32, #tpu.memory_space<hbm>>
        tpu.enqueue_indirect_dma source(%dma_start3A_245 : memref<1000000x64xf32, #tpu.memory_space<hbm>>) target(%dma_start3A_241 : memref<400x64xf32, #tpu.memory_space<vmem>>) offsets(%dma_start3A_242 : memref<400xi32, #tpu.memory_space<vmem>>) semaphore(%arg7 : memref<!tpu.dma_semaphore, #tpu.memory_space<semaphore_mem>>)
      } else {
      }
      %mul3A_103 = arith.constant 4 : i32
      %mul3A_104 = arith.muli %scan3A_63, %mul3A_103 : i32
      %add3A_105 = arith.constant 1 : i32
      %add3A_106 = arith.addi %mul3A_104, %add3A_105 : i32
      %dma_wait3A_107 = arith.constant 1 : i32
      %dma_wait3A_108 = arith.constant 0 : i32
      %dma_wait3A_109 = arith.constant 0 : i32
      %dma_wait3A_110 = tpu.memref_slice %arg6[%dma_wait3A_107, %dma_wait3A_108, %dma_wait3A_109] : memref<4x400x64xf32, #tpu.memory_space<vmem>> -> memref<1x400x64xf32, #tpu.memory_space<vmem>>
      %dma_wait3A_111 = tpu.memref_squeeze %dma_wait3A_110 : memref<1x400x64xf32, #tpu.memory_space<vmem>> -> memref<400x64xf32, #tpu.memory_space<vmem>>
      %dma_wait3A_112 = arith.constant 0 : i32
      %dma_wait3A_113 = tpu.memref_slice %arg5[%dma_wait3A_112] : memref<6400xi32, #tpu.memory_space<vmem>> -> memref<400xi32, #tpu.memory_space<vmem>>
      %dma_wait3A_114 = arith.constant 0 : i32
      %dma_wait3A_115 = arith.constant 0 : i32
      %dma_wait3A_116 = tpu.memref_slice %arg3[%dma_wait3A_114, %dma_wait3A_115] : memref<1000000x64xf32, #tpu.memory_space<hbm>> -> memref<1000000x64xf32, #tpu.memory_space<hbm>>
      tpu.wait_indirect_dma semaphore(%arg7 : memref<!tpu.dma_semaphore, #tpu.memory_space<semaphore_mem>>) src(%dma_wait3A_116 : memref<1000000x64xf32, #tpu.memory_space<hbm>>) dst(%dma_wait3A_111 : memref<400x64xf32, #tpu.memory_space<vmem>>)
      %mul3A_117 = arith.constant 400 : i32
      %mul3A_118 = arith.muli %add3A_106, %mul3A_117 : i32
      %add3A_119 = arith.addi %mul3A_2, %mul3A_118 : i32
      %dma_start3A_120 = arith.constant 1 : i32
      %dma_start3A_121 = arith.constant 0 : i32
      %dma_start3A_122 = arith.constant 0 : i32
      %dma_start3A_123 = tpu.memref_slice %arg6[%dma_start3A_120, %dma_start3A_121, %dma_start3A_122] : memref<4x400x64xf32, #tpu.memory_space<vmem>> -> memref<1x400x64xf32, #tpu.memory_space<vmem>>
      %dma_start3A_124 = tpu.memref_squeeze %dma_start3A_123 : memref<1x400x64xf32, #tpu.memory_space<vmem>> -> memref<400x64xf32, #tpu.memory_space<vmem>>
      %dma_start3A_125 = arith.constant 0 : i32
      %dma_start3A_126 = tpu.memref_slice %arg4[%add3A_119, %dma_start3A_125] : memref<204800x64xf32, #tpu.memory_space<hbm>> -> memref<400x64xf32, #tpu.memory_space<hbm>>
      %dma_start3A_127 = arith.constant 0 : i32
      %dma_start3A_128 = tpu.memref_slice %arg4[%add3A_119, %dma_start3A_127] : memref<204800x64xf32, #tpu.memory_space<hbm>> -> memref<400x64xf32, #tpu.memory_space<hbm>>
      %dma_start3A_129 = arith.constant 0 : i32
      %dma_start3A_130 = arith.constant 0 : i32
      %dma_start3A_131 = tpu.memref_slice %arg6[%dma_start3A_120, %dma_start3A_129, %dma_start3A_130] : memref<4x400x64xf32, #tpu.memory_space<vmem>> -> memref<1x400x64xf32, #tpu.memory_space<vmem>>
      %dma_start3A_132 = tpu.memref_squeeze %dma_start3A_131 : memref<1x400x64xf32, #tpu.memory_space<vmem>> -> memref<400x64xf32, #tpu.memory_space<vmem>>
      tpu.enqueue_dma source(%dma_start3A_132 : memref<400x64xf32, #tpu.memory_space<vmem>>) target(%dma_start3A_128 : memref<400x64xf32, #tpu.memory_space<hbm>>) target_semaphore(%arg8 : memref<!tpu.dma_semaphore, #tpu.memory_space<semaphore_mem>>)
      %gt3A_133 = arith.constant 0 : i32
      %gt3A_134 = arith.cmpi sgt, %add3A_106, %gt3A_133 : i32
      %convert_element_type3A_135 = arith.extui %gt3A_134 : i1 to i32
      %cond3A_136 = arith.constant 0 : i32
      %cond3A_137 = arith.cmpi ne, %convert_element_type3A_135, %cond3A_136 : i32
      scf.if %cond3A_137 {
        %dma_wait3A_235 = arith.constant 0 : i32
        %dma_wait3A_236 = arith.constant 0 : i32
        %dma_wait3A_237 = arith.constant 0 : i32
        %dma_wait3A_238 = tpu.memref_slice %arg6[%dma_wait3A_235, %dma_wait3A_236, %dma_wait3A_237] : memref<4x400x64xf32, #tpu.memory_space<vmem>> -> memref<1x400x64xf32, #tpu.memory_space<vmem>>
        %dma_wait3A_239 = tpu.memref_squeeze %dma_wait3A_238 : memref<1x400x64xf32, #tpu.memory_space<vmem>> -> memref<400x64xf32, #tpu.memory_space<vmem>>
        %dma_wait3A_240 = arith.constant 0 : i32
        %dma_wait3A_241 = tpu.memref_slice %arg4[%mul3A_2, %dma_wait3A_240] : memref<204800x64xf32, #tpu.memory_space<hbm>> -> memref<400x64xf32, #tpu.memory_space<hbm>>
        %dma_wait3A_242 = arith.constant 0 : i32
        %dma_wait3A_243 = tpu.memref_slice %arg4[%mul3A_2, %dma_wait3A_242] : memref<204800x64xf32, #tpu.memory_space<hbm>> -> memref<400x64xf32, #tpu.memory_space<hbm>>
        %dma_wait3A_244 = arith.constant 0 : i32
        %dma_wait3A_245 = arith.constant 0 : i32
        %dma_wait3A_246 = tpu.memref_slice %arg6[%dma_wait3A_235, %dma_wait3A_244, %dma_wait3A_245] : memref<4x400x64xf32, #tpu.memory_space<vmem>> -> memref<1x400x64xf32, #tpu.memory_space<vmem>>
        %dma_wait3A_247 = tpu.memref_squeeze %dma_wait3A_246 : memref<1x400x64xf32, #tpu.memory_space<vmem>> -> memref<400x64xf32, #tpu.memory_space<vmem>>
        tpu.wait_dma2 semaphore(%arg8 : memref<!tpu.dma_semaphore, #tpu.memory_space<semaphore_mem>>) src(%dma_wait3A_247 : memref<400x64xf32, #tpu.memory_space<vmem>>) dst(%dma_wait3A_243 : memref<400x64xf32, #tpu.memory_space<hbm>>)
      } else {
      }
      %add3A_138 = arith.constant 4 : i32
      %add3A_139 = arith.addi %add3A_106, %add3A_138 : i32
      %sub3A_140 = arith.constant 1 : i32
      %sub3A_141 = arith.subi %add3A_139, %sub3A_140 : i32
      %lt3A_142 = arith.constant 16 : i32
      %lt3A_143 = arith.cmpi slt, %sub3A_141, %lt3A_142 : i32
      %convert_element_type3A_144 = arith.extui %lt3A_143 : i1 to i32
      %cond3A_145 = arith.constant 0 : i32
      %cond3A_146 = arith.cmpi ne, %convert_element_type3A_144, %cond3A_145 : i32
      scf.if %cond3A_146 {
        %mul3A_235 = arith.constant 400 : i32
        %mul3A_236 = arith.muli %sub3A_141, %mul3A_235 : i32
        %dma_start3A_237 = arith.constant 0 : i32
        %dma_start3A_238 = arith.constant 0 : i32
        %dma_start3A_239 = arith.constant 0 : i32
        %dma_start3A_240 = tpu.memref_slice %arg6[%dma_start3A_237, %dma_start3A_238, %dma_start3A_239] : memref<4x400x64xf32, #tpu.memory_space<vmem>> -> memref<1x400x64xf32, #tpu.memory_space<vmem>>
        %dma_start3A_241 = tpu.memref_squeeze %dma_start3A_240 : memref<1x400x64xf32, #tpu.memory_space<vmem>> -> memref<400x64xf32, #tpu.memory_space<vmem>>
        %dma_start3A_242 = tpu.memref_slice %arg5[%mul3A_236] : memref<6400xi32, #tpu.memory_space<vmem>> -> memref<400xi32, #tpu.memory_space<vmem>>
        %dma_start3A_243 = arith.constant 0 : i32
        %dma_start3A_244 = arith.constant 0 : i32
        %dma_start3A_245 = tpu.memref_slice %arg3[%dma_start3A_243, %dma_start3A_244] : memref<1000000x64xf32, #tpu.memory_space<hbm>> -> memref<1000000x64xf32, #tpu.memory_space<hbm>>
        tpu.enqueue_indirect_dma source(%dma_start3A_245 : memref<1000000x64xf32, #tpu.memory_space<hbm>>) target(%dma_start3A_241 : memref<400x64xf32, #tpu.memory_space<vmem>>) offsets(%dma_start3A_242 : memref<400xi32, #tpu.memory_space<vmem>>) semaphore(%arg7 : memref<!tpu.dma_semaphore, #tpu.memory_space<semaphore_mem>>)
      } else {
      }
      %mul3A_147 = arith.constant 4 : i32
      %mul3A_148 = arith.muli %scan3A_63, %mul3A_147 : i32
      %add3A_149 = arith.constant 2 : i32
      %add3A_150 = arith.addi %mul3A_148, %add3A_149 : i32
      %dma_wait3A_151 = arith.constant 2 : i32
      %dma_wait3A_152 = arith.constant 0 : i32
      %dma_wait3A_153 = arith.constant 0 : i32
      %dma_wait3A_154 = tpu.memref_slice %arg6[%dma_wait3A_151, %dma_wait3A_152, %dma_wait3A_153] : memref<4x400x64xf32, #tpu.memory_space<vmem>> -> memref<1x400x64xf32, #tpu.memory_space<vmem>>
      %dma_wait3A_155 = tpu.memref_squeeze %dma_wait3A_154 : memref<1x400x64xf32, #tpu.memory_space<vmem>> -> memref<400x64xf32, #tpu.memory_space<vmem>>
      %dma_wait3A_156 = arith.constant 0 : i32
      %dma_wait3A_157 = tpu.memref_slice %arg5[%dma_wait3A_156] : memref<6400xi32, #tpu.memory_space<vmem>> -> memref<400xi32, #tpu.memory_space<vmem>>
      %dma_wait3A_158 = arith.constant 0 : i32
      %dma_wait3A_159 = arith.constant 0 : i32
      %dma_wait3A_160 = tpu.memref_slice %arg3[%dma_wait3A_158, %dma_wait3A_159] : memref<1000000x64xf32, #tpu.memory_space<hbm>> -> memref<1000000x64xf32, #tpu.memory_space<hbm>>
      tpu.wait_indirect_dma semaphore(%arg7 : memref<!tpu.dma_semaphore, #tpu.memory_space<semaphore_mem>>) src(%dma_wait3A_160 : memref<1000000x64xf32, #tpu.memory_space<hbm>>) dst(%dma_wait3A_155 : memref<400x64xf32, #tpu.memory_space<vmem>>)
      %mul3A_161 = arith.constant 400 : i32
      %mul3A_162 = arith.muli %add3A_150, %mul3A_161 : i32
      %add3A_163 = arith.addi %mul3A_2, %mul3A_162 : i32
      %dma_start3A_164 = arith.constant 2 : i32
      %dma_start3A_165 = arith.constant 0 : i32
      %dma_start3A_166 = arith.constant 0 : i32
      %dma_start3A_167 = tpu.memref_slice %arg6[%dma_start3A_164, %dma_start3A_165, %dma_start3A_166] : memref<4x400x64xf32, #tpu.memory_space<vmem>> -> memref<1x400x64xf32, #tpu.memory_space<vmem>>
      %dma_start3A_168 = tpu.memref_squeeze %dma_start3A_167 : memref<1x400x64xf32, #tpu.memory_space<vmem>> -> memref<400x64xf32, #tpu.memory_space<vmem>>
      %dma_start3A_169 = arith.constant 0 : i32
      %dma_start3A_170 = tpu.memref_slice %arg4[%add3A_163, %dma_start3A_169] : memref<204800x64xf32, #tpu.memory_space<hbm>> -> memref<400x64xf32, #tpu.memory_space<hbm>>
      %dma_start3A_171 = arith.constant 0 : i32
      %dma_start3A_172 = tpu.memref_slice %arg4[%add3A_163, %dma_start3A_171] : memref<204800x64xf32, #tpu.memory_space<hbm>> -> memref<400x64xf32, #tpu.memory_space<hbm>>
      %dma_start3A_173 = arith.constant 0 : i32
      %dma_start3A_174 = arith.constant 0 : i32
      %dma_start3A_175 = tpu.memref_slice %arg6[%dma_start3A_164, %dma_start3A_173, %dma_start3A_174] : memref<4x400x64xf32, #tpu.memory_space<vmem>> -> memref<1x400x64xf32, #tpu.memory_space<vmem>>
      %dma_start3A_176 = tpu.memref_squeeze %dma_start3A_175 : memref<1x400x64xf32, #tpu.memory_space<vmem>> -> memref<400x64xf32, #tpu.memory_space<vmem>>
      tpu.enqueue_dma source(%dma_start3A_176 : memref<400x64xf32, #tpu.memory_space<vmem>>) target(%dma_start3A_172 : memref<400x64xf32, #tpu.memory_space<hbm>>) target_semaphore(%arg8 : memref<!tpu.dma_semaphore, #tpu.memory_space<semaphore_mem>>)
      %gt3A_177 = arith.constant 0 : i32
      %gt3A_178 = arith.cmpi sgt, %add3A_150, %gt3A_177 : i32
      %convert_element_type3A_179 = arith.extui %gt3A_178 : i1 to i32
      %cond3A_180 = arith.constant 0 : i32
      %cond3A_181 = arith.cmpi ne, %convert_element_type3A_179, %cond3A_180 : i32
      scf.if %cond3A_181 {
        %dma_wait3A_235 = arith.constant 1 : i32
        %dma_wait3A_236 = arith.constant 0 : i32
        %dma_wait3A_237 = arith.constant 0 : i32
        %dma_wait3A_238 = tpu.memref_slice %arg6[%dma_wait3A_235, %dma_wait3A_236, %dma_wait3A_237] : memref<4x400x64xf32, #tpu.memory_space<vmem>> -> memref<1x400x64xf32, #tpu.memory_space<vmem>>
        %dma_wait3A_239 = tpu.memref_squeeze %dma_wait3A_238 : memref<1x400x64xf32, #tpu.memory_space<vmem>> -> memref<400x64xf32, #tpu.memory_space<vmem>>
        %dma_wait3A_240 = arith.constant 0 : i32
        %dma_wait3A_241 = tpu.memref_slice %arg4[%mul3A_2, %dma_wait3A_240] : memref<204800x64xf32, #tpu.memory_space<hbm>> -> memref<400x64xf32, #tpu.memory_space<hbm>>
        %dma_wait3A_242 = arith.constant 0 : i32
        %dma_wait3A_243 = tpu.memref_slice %arg4[%mul3A_2, %dma_wait3A_242] : memref<204800x64xf32, #tpu.memory_space<hbm>> -> memref<400x64xf32, #tpu.memory_space<hbm>>
        %dma_wait3A_244 = arith.constant 0 : i32
        %dma_wait3A_245 = arith.constant 0 : i32
        %dma_wait3A_246 = tpu.memref_slice %arg6[%dma_wait3A_235, %dma_wait3A_244, %dma_wait3A_245] : memref<4x400x64xf32, #tpu.memory_space<vmem>> -> memref<1x400x64xf32, #tpu.memory_space<vmem>>
        %dma_wait3A_247 = tpu.memref_squeeze %dma_wait3A_246 : memref<1x400x64xf32, #tpu.memory_space<vmem>> -> memref<400x64xf32, #tpu.memory_space<vmem>>
        tpu.wait_dma2 semaphore(%arg8 : memref<!tpu.dma_semaphore, #tpu.memory_space<semaphore_mem>>) src(%dma_wait3A_247 : memref<400x64xf32, #tpu.memory_space<vmem>>) dst(%dma_wait3A_243 : memref<400x64xf32, #tpu.memory_space<hbm>>)
      } else {
      }
      %add3A_182 = arith.constant 4 : i32
      %add3A_183 = arith.addi %add3A_150, %add3A_182 : i32
      %sub3A_184 = arith.constant 1 : i32
      %sub3A_185 = arith.subi %add3A_183, %sub3A_184 : i32
      %lt3A_186 = arith.constant 16 : i32
      %lt3A_187 = arith.cmpi slt, %sub3A_185, %lt3A_186 : i32
      %convert_element_type3A_188 = arith.extui %lt3A_187 : i1 to i32
      %cond3A_189 = arith.constant 0 : i32
      %cond3A_190 = arith.cmpi ne, %convert_element_type3A_188, %cond3A_189 : i32
      scf.if %cond3A_190 {
        %mul3A_235 = arith.constant 400 : i32
        %mul3A_236 = arith.muli %sub3A_185, %mul3A_235 : i32
        %dma_start3A_237 = arith.constant 1 : i32
        %dma_start3A_238 = arith.constant 0 : i32
        %dma_start3A_239 = arith.constant 0 : i32
        %dma_start3A_240 = tpu.memref_slice %arg6[%dma_start3A_237, %dma_start3A_238, %dma_start3A_239] : memref<4x400x64xf32, #tpu.memory_space<vmem>> -> memref<1x400x64xf32, #tpu.memory_space<vmem>>
        %dma_start3A_241 = tpu.memref_squeeze %dma_start3A_240 : memref<1x400x64xf32, #tpu.memory_space<vmem>> -> memref<400x64xf32, #tpu.memory_space<vmem>>
        %dma_start3A_242 = tpu.memref_slice %arg5[%mul3A_236] : memref<6400xi32, #tpu.memory_space<vmem>> -> memref<400xi32, #tpu.memory_space<vmem>>
        %dma_start3A_243 = arith.constant 0 : i32
        %dma_start3A_244 = arith.constant 0 : i32
        %dma_start3A_245 = tpu.memref_slice %arg3[%dma_start3A_243, %dma_start3A_244] : memref<1000000x64xf32, #tpu.memory_space<hbm>> -> memref<1000000x64xf32, #tpu.memory_space<hbm>>
        tpu.enqueue_indirect_dma source(%dma_start3A_245 : memref<1000000x64xf32, #tpu.memory_space<hbm>>) target(%dma_start3A_241 : memref<400x64xf32, #tpu.memory_space<vmem>>) offsets(%dma_start3A_242 : memref<400xi32, #tpu.memory_space<vmem>>) semaphore(%arg7 : memref<!tpu.dma_semaphore, #tpu.memory_space<semaphore_mem>>)
      } else {
      }
      %mul3A_191 = arith.constant 4 : i32
      %mul3A_192 = arith.muli %scan3A_63, %mul3A_191 : i32
      %add3A_193 = arith.constant 3 : i32
      %add3A_194 = arith.addi %mul3A_192, %add3A_193 : i32
      %dma_wait3A_195 = arith.constant 3 : i32
      %dma_wait3A_196 = arith.constant 0 : i32
      %dma_wait3A_197 = arith.constant 0 : i32
      %dma_wait3A_198 = tpu.memref_slice %arg6[%dma_wait3A_195, %dma_wait3A_196, %dma_wait3A_197] : memref<4x400x64xf32, #tpu.memory_space<vmem>> -> memref<1x400x64xf32, #tpu.memory_space<vmem>>
      %dma_wait3A_199 = tpu.memref_squeeze %dma_wait3A_198 : memref<1x400x64xf32, #tpu.memory_space<vmem>> -> memref<400x64xf32, #tpu.memory_space<vmem>>
      %dma_wait3A_200 = arith.constant 0 : i32
      %dma_wait3A_201 = tpu.memref_slice %arg5[%dma_wait3A_200] : memref<6400xi32, #tpu.memory_space<vmem>> -> memref<400xi32, #tpu.memory_space<vmem>>
      %dma_wait3A_202 = arith.constant 0 : i32
      %dma_wait3A_203 = arith.constant 0 : i32
      %dma_wait3A_204 = tpu.memref_slice %arg3[%dma_wait3A_202, %dma_wait3A_203] : memref<1000000x64xf32, #tpu.memory_space<hbm>> -> memref<1000000x64xf32, #tpu.memory_space<hbm>>
      tpu.wait_indirect_dma semaphore(%arg7 : memref<!tpu.dma_semaphore, #tpu.memory_space<semaphore_mem>>) src(%dma_wait3A_204 : memref<1000000x64xf32, #tpu.memory_space<hbm>>) dst(%dma_wait3A_199 : memref<400x64xf32, #tpu.memory_space<vmem>>)
      %mul3A_205 = arith.constant 400 : i32
      %mul3A_206 = arith.muli %add3A_194, %mul3A_205 : i32
      %add3A_207 = arith.addi %mul3A_2, %mul3A_206 : i32
      %dma_start3A_208 = arith.constant 3 : i32
      %dma_start3A_209 = arith.constant 0 : i32
      %dma_start3A_210 = arith.constant 0 : i32
      %dma_start3A_211 = tpu.memref_slice %arg6[%dma_start3A_208, %dma_start3A_209, %dma_start3A_210] : memref<4x400x64xf32, #tpu.memory_space<vmem>> -> memref<1x400x64xf32, #tpu.memory_space<vmem>>
      %dma_start3A_212 = tpu.memref_squeeze %dma_start3A_211 : memref<1x400x64xf32, #tpu.memory_space<vmem>> -> memref<400x64xf32, #tpu.memory_space<vmem>>
      %dma_start3A_213 = arith.constant 0 : i32
      %dma_start3A_214 = tpu.memref_slice %arg4[%add3A_207, %dma_start3A_213] : memref<204800x64xf32, #tpu.memory_space<hbm>> -> memref<400x64xf32, #tpu.memory_space<hbm>>
      %dma_start3A_215 = arith.constant 0 : i32
      %dma_start3A_216 = tpu.memref_slice %arg4[%add3A_207, %dma_start3A_215] : memref<204800x64xf32, #tpu.memory_space<hbm>> -> memref<400x64xf32, #tpu.memory_space<hbm>>
      %dma_start3A_217 = arith.constant 0 : i32
      %dma_start3A_218 = arith.constant 0 : i32
      %dma_start3A_219 = tpu.memref_slice %arg6[%dma_start3A_208, %dma_start3A_217, %dma_start3A_218] : memref<4x400x64xf32, #tpu.memory_space<vmem>> -> memref<1x400x64xf32, #tpu.memory_space<vmem>>
      %dma_start3A_220 = tpu.memref_squeeze %dma_start3A_219 : memref<1x400x64xf32, #tpu.memory_space<vmem>> -> memref<400x64xf32, #tpu.memory_space<vmem>>
      tpu.enqueue_dma source(%dma_start3A_220 : memref<400x64xf32, #tpu.memory_space<vmem>>) target(%dma_start3A_216 : memref<400x64xf32, #tpu.memory_space<hbm>>) target_semaphore(%arg8 : memref<!tpu.dma_semaphore, #tpu.memory_space<semaphore_mem>>)
      %gt3A_221 = arith.constant 0 : i32
      %gt3A_222 = arith.cmpi sgt, %add3A_194, %gt3A_221 : i32
      %convert_element_type3A_223 = arith.extui %gt3A_222 : i1 to i32
      %cond3A_224 = arith.constant 0 : i32
      %cond3A_225 = arith.cmpi ne, %convert_element_type3A_223, %cond3A_224 : i32
      scf.if %cond3A_225 {
        %dma_wait3A_235 = arith.constant 2 : i32
        %dma_wait3A_236 = arith.constant 0 : i32
        %dma_wait3A_237 = arith.constant 0 : i32
        %dma_wait3A_238 = tpu.memref_slice %arg6[%dma_wait3A_235, %dma_wait3A_236, %dma_wait3A_237] : memref<4x400x64xf32, #tpu.memory_space<vmem>> -> memref<1x400x64xf32, #tpu.memory_space<vmem>>
        %dma_wait3A_239 = tpu.memref_squeeze %dma_wait3A_238 : memref<1x400x64xf32, #tpu.memory_space<vmem>> -> memref<400x64xf32, #tpu.memory_space<vmem>>
        %dma_wait3A_240 = arith.constant 0 : i32
        %dma_wait3A_241 = tpu.memref_slice %arg4[%mul3A_2, %dma_wait3A_240] : memref<204800x64xf32, #tpu.memory_space<hbm>> -> memref<400x64xf32, #tpu.memory_space<hbm>>
        %dma_wait3A_242 = arith.constant 0 : i32
        %dma_wait3A_243 = tpu.memref_slice %arg4[%mul3A_2, %dma_wait3A_242] : memref<204800x64xf32, #tpu.memory_space<hbm>> -> memref<400x64xf32, #tpu.memory_space<hbm>>
        %dma_wait3A_244 = arith.constant 0 : i32
        %dma_wait3A_245 = arith.constant 0 : i32
        %dma_wait3A_246 = tpu.memref_slice %arg6[%dma_wait3A_235, %dma_wait3A_244, %dma_wait3A_245] : memref<4x400x64xf32, #tpu.memory_space<vmem>> -> memref<1x400x64xf32, #tpu.memory_space<vmem>>
        %dma_wait3A_247 = tpu.memref_squeeze %dma_wait3A_246 : memref<1x400x64xf32, #tpu.memory_space<vmem>> -> memref<400x64xf32, #tpu.memory_space<vmem>>
        tpu.wait_dma2 semaphore(%arg8 : memref<!tpu.dma_semaphore, #tpu.memory_space<semaphore_mem>>) src(%dma_wait3A_247 : memref<400x64xf32, #tpu.memory_space<vmem>>) dst(%dma_wait3A_243 : memref<400x64xf32, #tpu.memory_space<hbm>>)
      } else {
      }
      %add3A_226 = arith.constant 4 : i32
      %add3A_227 = arith.addi %add3A_194, %add3A_226 : i32
      %sub3A_228 = arith.constant 1 : i32
      %sub3A_229 = arith.subi %add3A_227, %sub3A_228 : i32
      %lt3A_230 = arith.constant 16 : i32
      %lt3A_231 = arith.cmpi slt, %sub3A_229, %lt3A_230 : i32
      %convert_element_type3A_232 = arith.extui %lt3A_231 : i1 to i32
      %cond3A_233 = arith.constant 0 : i32
      %cond3A_234 = arith.cmpi ne, %convert_element_type3A_232, %cond3A_233 : i32
      scf.if %cond3A_234 {
        %mul3A_235 = arith.constant 400 : i32
        %mul3A_236 = arith.muli %sub3A_229, %mul3A_235 : i32
        %dma_start3A_237 = arith.constant 2 : i32
        %dma_start3A_238 = arith.constant 0 : i32
        %dma_start3A_239 = arith.constant 0 : i32
        %dma_start3A_240 = tpu.memref_slice %arg6[%dma_start3A_237, %dma_start3A_238, %dma_start3A_239] : memref<4x400x64xf32, #tpu.memory_space<vmem>> -> memref<1x400x64xf32, #tpu.memory_space<vmem>>
        %dma_start3A_241 = tpu.memref_squeeze %dma_start3A_240 : memref<1x400x64xf32, #tpu.memory_space<vmem>> -> memref<400x64xf32, #tpu.memory_space<vmem>>
        %dma_start3A_242 = tpu.memref_slice %arg5[%mul3A_236] : memref<6400xi32, #tpu.memory_space<vmem>> -> memref<400xi32, #tpu.memory_space<vmem>>
        %dma_start3A_243 = arith.constant 0 : i32
        %dma_start3A_244 = arith.constant 0 : i32
        %dma_start3A_245 = tpu.memref_slice %arg3[%dma_start3A_243, %dma_start3A_244] : memref<1000000x64xf32, #tpu.memory_space<hbm>> -> memref<1000000x64xf32, #tpu.memory_space<hbm>>
        tpu.enqueue_indirect_dma source(%dma_start3A_245 : memref<1000000x64xf32, #tpu.memory_space<hbm>>) target(%dma_start3A_241 : memref<400x64xf32, #tpu.memory_space<vmem>>) offsets(%dma_start3A_242 : memref<400xi32, #tpu.memory_space<vmem>>) semaphore(%arg7 : memref<!tpu.dma_semaphore, #tpu.memory_space<semaphore_mem>>)
      } else {
      }
    }
    %scan3A_49 = arith.constant 4 : i32
    %dma_wait3A_50 = arith.constant 3 : i32
    %dma_wait3A_51 = arith.constant 0 : i32
    %dma_wait3A_52 = arith.constant 0 : i32
    %dma_wait3A_53 = tpu.memref_slice %arg6[%dma_wait3A_50, %dma_wait3A_51, %dma_wait3A_52] : memref<4x400x64xf32, #tpu.memory_space<vmem>> -> memref<1x400x64xf32, #tpu.memory_space<vmem>>
    %dma_wait3A_54 = tpu.memref_squeeze %dma_wait3A_53 : memref<1x400x64xf32, #tpu.memory_space<vmem>> -> memref<400x64xf32, #tpu.memory_space<vmem>>
    %dma_wait3A_55 = arith.constant 0 : i32
    %dma_wait3A_56 = tpu.memref_slice %arg4[%mul3A_2, %dma_wait3A_55] : memref<204800x64xf32, #tpu.memory_space<hbm>> -> memref<400x64xf32, #tpu.memory_space<hbm>>
    %dma_wait3A_57 = arith.constant 0 : i32
    %dma_wait3A_58 = tpu.memref_slice %arg4[%mul3A_2, %dma_wait3A_57] : memref<204800x64xf32, #tpu.memory_space<hbm>> -> memref<400x64xf32, #tpu.memory_space<hbm>>
    %dma_wait3A_59 = arith.constant 0 : i32
    %dma_wait3A_60 = arith.constant 0 : i32
    %dma_wait3A_61 = tpu.memref_slice %arg6[%dma_wait3A_50, %dma_wait3A_59, %dma_wait3A_60] : memref<4x400x64xf32, #tpu.memory_space<vmem>> -> memref<1x400x64xf32, #tpu.memory_space<vmem>>
    %dma_wait3A_62 = tpu.memref_squeeze %dma_wait3A_61 : memref<1x400x64xf32, #tpu.memory_space<vmem>> -> memref<400x64xf32, #tpu.memory_space<vmem>>
    tpu.wait_dma2 semaphore(%arg8 : memref<!tpu.dma_semaphore, #tpu.memory_space<semaphore_mem>>) src(%dma_wait3A_62 : memref<400x64xf32, #tpu.memory_space<vmem>>) dst(%dma_wait3A_58 : memref<400x64xf32, #tpu.memory_space<hbm>>)
    return
  }
}

</mosaic_0001>

<sc_bundles>
// kernel: kernel.3.cloned.1.call-start
scs
__scs_entry_jumppad:
0x0: {  	(pc) =	sbr.rel $0x88, $3  }
0x1: {  	(tag) =	ssettag $0x0;
	lr =	simm.s32 $0x1  }
0x2: {  	[smem:$0x3F9F] =	sst lr;
	_ =	strace $0xD0000000  }
0x3: {  	_ = 	snop  }
0x4: {  	_ = 	snop  }
0x5: {  	_ = 	snop  }
0x6: {  	_ = 	snop  }
0x7: {  	_ = 	snop  }
__scs_overlays_trampoline_lowered:
0x8: {  	[smem:$0x3FAE] =	sst s0  }
0x9: {  	[smem:$0x3FAF] =	sst s1  }
0xa: {  	[smem:$0x3FB0] =	sst s2  }
0xb: {  	[smem:$0x3FB1] =	sst s3  }
0xc: {  	[smem:$0x3FB2] =	sst s4  }
0xd: {  	[smem:$0x3FB3] =	sst s5  }
0xe: {  	[smem:$0x3FB4] =	sst s6  }
0xf: {  	[smem:$0x3FB5] =	sst s7  }
0x10: {  	[smem:$0x3FB6] =	sst s8  }
0x11: {  	[smem:$0x3FB7] =	sst s9;
	s0 =	simm.s32 @!p0 $0x0  }
0x12: {  	s1 =	sld [smem:$0x3F9D];
	s0 =	simm.s32 @p0 $0x1  }
0x13: {  	[smem:$0x3FB8] =	sst s0;
	s0 =	simm.s32 @!p1 $0x0  }
0x14: {  	s2 =	sld [smem:$0x3F9C];
	s0 =	simm.s32 @p1 $0x1  }
0x15: {  	[smem:$0x3FB9] =	sst s0;
	s0 =	simm.s32 @!p2 $0x0  }
0x16: {  	s3 =	sld [smem:$0x3FDB];
	s0 =	simm.s32 @p2 $0x1  }
0x17: {  	s4 =	simm.s32 $0x1BF5;
	[smem:$0x3FBB] =	sst s0  }
0x18: {  	s0 =	sld [smem:$0x3F9E];
	_ =	swait.ge [sflag:s4], $0x0  }
0x19: {  	s7 =	sld [smem:$0x3F9F]  }
0x1a: {  	s8 =	sadd.s32 $0xFFFFE003, lr  }
0x1b: {  	s9 =	sadd.s32 $0xFFFFFEF7, lr;
	s5 =	simm.s32 $0xFFFFFFFF;
	p2 =	slt.u32 s8, $0xFFFFF086  }
0x1c: {  	p1 =	slt.u32 s9, $0xF7A;
	s5 =	simm.s32 @!p2 $0x0  }
0x1d: {  	s5 =	simm.s32 @p1 $0x1;
	p0 =	seq.s32 s7, s2  }
0x1e: {  	s7 =	smul.u32 @!p0 $0xF7A, s2;
	p2 =	seq.s32 @!p0 s5, $0x0  }
0x1f: {  	s9 =	smul.u32 $0xF7A, s1;
	s8 =	simm.s32 @!p0 $0x1BF5;
	p2 =	por !p2, p0  }
0x20: {  	[sflag:s8] =	ssyncset.s32 @!p0 $0xFFFFF086;
	s6 =	sadd.s32 @!p0 s3, s7;
	s7 =	simm.s32 @!p0 $0x108  }
0x21: {  	s3 =	sadd.s32 s3, s9;
	s6 =	sadd.s32 @!p0 $0x88, s6;
	s7 =	simm.s32 @p2 $0x1082  }
0x22: {  	[simem:s7], [sflag:s8] =	dma.local @!p0 [hbm:s6], $0xF7A  }
0x23: {  	s9 =	sor.u32 $0xD0000000, s2;
	s6 =	simm.s32 $0x108;
	_ =	swait.ge @!p0 [sflag:s8], $0x0  }
0x24: {  	s3 =	sadd.s32 $0x88, s3;
	s6 =	simm.s32 @!p1 $0x1082;
	[sflag:s4] =	ssyncset.s32 $0xFFFFF086  }
0x25: {  	[simem:s6], [sflag:s4] =	dma.local [hbm:s3], $0xF7A  }
0x26: {  	[smem:$0x3F9F] =	sst s1;
	(tag) =	ssettag s2;
	_ =	strace s9  }
0x27: {  	s1 =	sld [smem:$0x3FAF]  }
0x28: {  	s2 =	sld [smem:$0x3FB0]  }
0x29: {  	s4 =	sld [smem:$0x3FB2]  }
0x2a: {  	p0 =	seq.s32 s5, $0x0;
	s5 =	sld [smem:$0x3FB3]  }
0x2b: {  	s6 =	sld [smem:$0x3FB4]  }
0x2c: {  	s7 =	sld [smem:$0x3FB5]  }
0x2d: {  	s3 =	simm.s32 $0x108;
	s8 =	sld [smem:$0x3FB6]  }
0x2e: {  	s3 =	simm.s32 @!p0 $0x1082;
	s9 =	sld [smem:$0x3FB7]  }
0x2f: {  	lr =	sadd.s32 s0, s3;
	s0 =	sld [smem:$0x3FAE]  }
0x30: {  	s3 =	sld [smem:$0x3FB1]  }
0x31: {  	[smem:$0x3FBA] =	sst s10  }
0x32: {  	s10 =	sld [smem:$0x3FB8];
	_ =	sdelay $0x3  }
0x33: {  	p0 =	seq.s32 s10, $0x1;
	s10 =	sld [smem:$0x3FBA];
	_ =	sdelay $0x3  }
0x34: {  	[smem:$0x3FBA] =	sst s10  }
0x35: {  	s10 =	sld [smem:$0x3FB9];
	_ =	sdelay $0x3  }
0x36: {  	p1 =	seq.s32 s10, $0x1;
	s10 =	sld [smem:$0x3FBA];
	_ =	sdelay $0x3  }
0x37: {  	[smem:$0x3FBA] =	sst s10  }
0x38: {  	s10 =	sld [smem:$0x3FBB]  }
0x39: {  	_ = 	snop;
	(pc) =	sbr.ind lr, $3  }
0x3a: {  	_ = 	snop  }
0x3b: {  	_ = 	snop  }
0x3c: {  	p2 =	seq.s32 s10, $0x1;
	s10 =	sld [smem:$0x3FBA]  }
0x3d: {  	_ =	shalt  }
0x3e: {  	_ =	shalt  }
0x3f: {  	_ =	shalt  }
0x40: {  	_ =	shalt  }
0x41: {  	_ =	shalt  }
0x42: {  	_ =	shalt  }
0x43: {  	_ =	shalt  }
0x44: {  	_ =	shalt  }
0x45: {  	_ =	shalt  }
0x46: {  	_ =	shalt  }
0x47: {  	_ =	shalt  }
0x48: {  	_ =	shalt  }
0x49: {  	_ =	shalt  }
0x4a: {  	_ =	shalt  }
0x4b: {  	_ =	shalt  }
0x4c: {  	_ =	shalt  }
0x4d: {  	_ =	shalt  }
0x4e: {  	_ =	shalt  }
0x4f: {  	_ =	shalt  }
0x50: {  	_ =	shalt  }
0x51: {  	_ =	shalt  }
0x52: {  	_ =	shalt  }
0x53: {  	_ =	shalt  }
0x54: {  	_ =	shalt  }
0x55: {  	_ =	shalt  }
0x56: {  	_ =	shalt  }
0x57: {  	_ =	shalt  }
0x58: {  	_ =	shalt  }
0x59: {  	_ =	shalt  }
0x5a: {  	_ =	shalt  }
0x5b: {  	_ =	shalt  }
0x5c: {  	_ =	shalt  }
0x5d: {  	_ =	shalt  }
0x5e: {  	_ =	shalt  }
0x5f: {  	_ =	shalt  }
0x60: {  	_ =	shalt  }
0x61: {  	_ =	shalt  }
0x62: {  	_ =	shalt  }
0x63: {  	_ =	shalt  }
0x64: {  	_ =	shalt  }
0x65: {  	_ =	shalt  }
0x66: {  	_ =	shalt  }
0x67: {  	_ =	shalt  }
0x68: {  	_ =	shalt  }
0x69: {  	_ =	shalt  }
0x6a: {  	_ =	shalt  }
0x6b: {  	_ =	shalt  }
0x6c: {  	_ =	shalt  }
0x6d: {  	_ =	shalt  }
0x6e: {  	_ =	shalt  }
0x6f: {  	_ =	shalt  }
0x70: {  	_ =	shalt  }
0x71: {  	_ =	shalt  }
0x72: {  	_ =	shalt  }
0x73: {  	_ =	shalt  }
0x74: {  	_ =	shalt  }
0x75: {  	_ =	shalt  }
0x76: {  	_ =	shalt  }
0x77: {  	_ =	shalt  }
0x78: {  	_ =	shalt  }
0x79: {  	_ =	shalt  }
0x7a: {  	_ =	shalt  }
0x7b: {  	_ =	shalt  }
0x7c: {  	_ =	shalt  }
0x7d: {  	_ =	shalt  }
0x7e: {  	_ =	shalt  }
0x7f: {  	_ =	shalt  }
0x80: {  	_ =	shalt  }
0x81: {  	_ =	shalt  }
0x82: {  	_ =	shalt  }
0x83: {  	_ =	shalt  }
0x84: {  	_ =	shalt  }
0x85: {  	_ =	shalt  }
0x86: {  	_ =	shalt  }
0x87: {  	_ =	shalt  }
.Lfunc_end0:
.L_simem_size_0:
called_computation.1_lowered:
.L_overlay_start_0:
0x88: {  	s2 =	sld [smem:$0x3FD9]  }
0x89: {  	s3 =	sld [smem:$0x3FFE];
	_ =	sdelay $0x1  }
0x8a: {  	s1 =	srdreg.scid  }
0x8b: {  	s0 =	sand.u32 $0x1, s1  }
0x8c: {  	s17 =	sshll.u32 s0, $0xA;
	s2 =	sadd.s32 s3, s2  }
0x8d: {  	s2 =	sadd.s32 s2, s17  }
0x8e: {  	[smem:$0x3FC6] =	sst s2  }
0x8f: {  	_ = 	snop  }
0x90: {  	s2 =	sld [smem:$0x3FD0];
	(tm) =	ssettm $0x1  }
0x91: {  	s18 =	sld [smem:$0x3FFB];
	_ =	sdelay $0x3  }
0x92: {  	_ =	strace s18  }
0x93: {  	s3 =	sld [smem:$0x3FFC];
	_ =	sdelay $0x3  }
0x94: {  	_ =	strace s3  }
0x95: {  	s3 =	sld [smem:$0x3FFD];
	_ =	sdelay $0x3  }
0x96: {  	_ =	strace s3  }
0x97: {  	_ =	strace $0x8FFFFFFF  }
0x98: {  	s19 =	sld [smem:$0x3FDB];
	_ =	sdelay $0x1  }
0x99: {  	s4 =	simm.s32 $_scs_section_size  }
0x9a: {  	s5 =	simm.s32 $_size__tile_overlayer_lowered;
	s6 =	simm.s32 $_tile_overlayer_lowered  }
0x9b: {  	s22 =	simm.s32 $0x1BFF;
	s21 =	sshll.u32 s6, $0x1;
	s3 =	sadd.s32 s4, s19  }
0x9c: {  	s7 =	simm.s32 $0x0;
	s20 =	sshll.u32 s5, $0x1;
	s5 =	sadd.s32 s21, s3  }
0x9d: {  	[timem:s7], [sflag:s22] =	dma.local [hbm:s5], s20  }
0x9e: {  	_ =	swait.ge [sflag:s22], s20  }
0x9f: {  	s4 =	ssub.s32 $0x0, s20;
	[sflag:s22] =	ssyncset.done $0x0  }
0xa0: {  	[sflag:s22] =	ssyncadd.s32 s4;
	_ =	sdelay $0x1  }
0xa1: {  	s23 =	simm.s32 $0x1B8B  }
0xa2: {  	_ =	swait.ge [sflag:s23], $0x1  }
0xa3: {  	[sflag:s23] =	ssyncset.done $0x0  }
0xa4: {  	s25 =	simm.s32 $0x1B8E;
	s24 =	sld [smem:$0x3FFE];
	[sflag:s23] =	ssyncadd.s32 $0xFFFFFFFF  }
0xa5: {  	s26 =	simm.s32 $execute0_lowered;
	[smem:$0x3FD2] =	sst s25  }
0xa6: {  	s5 =	sshll.u32 s26, $0x1;
	_ =	strace $0x80000046;
	[dreg:$0x1] =	wrdreg $0xFFFFFFFF  }
0xa7: {  	s28 =	simm.s32 $_size_execute0_lowered;
	s3 =	sadd.s32 s3, s5;
	[dreg:$0x0] =	wrdreg $0x0  }
0xa8: {  	s5 =	sshll.u32 s28, $0x1;
	[dreg:$0x2] =	wrdreg s3  }
0xa9: {  	[dreg:$0x3] =	wrdreg s5  }
0xaa: {  	[dreg:$0x4] =	wrdreg $0xC0  }
0xab: {  	_ =	task [dreg:s7], $0x5FFFF  }
0xac: {  	[dreg:$0x1] =	wrdreg $0xFFFFFFFF  }
0xad: {  	[dreg:$0x0] =	wrdreg $0x60  }
0xae: {  	[dreg:$0x2] =	wrdreg s24  }
0xaf: {  	[dreg:$0x3] =	wrdreg s2  }
0xb0: {  	[dreg:$0x4] =	wrdreg $0x9  }
0xb1: {  	_ =	task.clear_ibuf [dreg:s7], $0x5FFFF;
	_ =	strace $0x90000046  }
0xb2: {  	s29 =	simm.s32 $0x9;
	_ =	strace $0x80000048  }
0xb3: {  	_ =	swait.ge [sflag:s29], $0x1  }
0xb4: {  	[sflag:s29] =	ssyncadd.s32 $0xFFFFFFFF  }
0xb5: {  	_ =	strace $0x90000048  }
0xb6: {  	_ =	sfence  }
0xb7: {  	s30 =	sld [smem:$0x0];
	_ =	sdelay $0x2  }
0xb8: {  	s31 =	sshll.u32 s1, $0xD;
	s1 =	sshrl.u32 s1, $0x2  }
0xb9: {  	s3 =	sand.u32 $0x4000, s31;
	s1 =	sadd.s32 s1, s30  }
0xba: {  	s0 =	sor.u32 s3, s0;
	s1 =	sshll.u32 s1, $0x11  }
0xbb: {  	s0 =	sor.u32 s1, s0  }
0xbc: {  	s0 =	sadd.s32 $0x8F2B, s0  }
0xbd: {  	[sflag:s0] =	ssyncadd.remote.s32 $0x1  }
0xbe: {  	_ =	sfence.sel $0xFFFF  }
0xbf: {  	[dreg:$0x0] =	wrdreg $0xFFFFFFFF;
	(pc) =	sbr.abs _section_cstart, $3  }
0xc0: {  	[dreg:$0x1] =	wrdreg $0xFFFFFFFF  }
0xc1: {  	_ =	task.clear_ibuf [dreg:s7], $0x2FFFF;
	_ =	strace $0x9FFFFFFF  }
0xc2: {  	(tm) =	ssettm $0x7FFFFFFF  }
0xc3: {  	_ =	shalt  }
tec
execute0_lowered:
.L_overlay_start_1:
0x0: {  	(tag) =	ssettag $0x1  }
0x1: {  	s1 =	srdreg.scid  }
0x2: {  	s0 =	stileid.u32;
	s3 =	rddreg [dreg:$0x0]  }
0x3: {  	s8 =	rddreg [dreg:$0x1];
	s2 =	simm.s32 $0x0;
	s12 =	simm.s32 $0x190  }
0x4: {  	s13 =	simm.s32 $0x1900;
	s14 =	simm.s32 $0x7D00;
	s15 =	simm.s32 $0x320  }
0x5: {  	s16 =	simm.s32 $0xE100;
	s17 =	simm.s32 $0x4B0;
	s18 =	simm.s32 $0x3  }
0x6: {  	s19 =	simm.s32 $0x1;
	s20 =	simm.s32 $0x14500;
	s21 =	simm.s32 $0x2  }
0x7: {  	s22 =	simm.s32 $0x0;
	s6 =	sand.u32 $0x1, s1;
	s5 =	smul.u32 $0x3200, s0  }
0x8: {  	s28 =	sshll.u32 s0, $0x1;
	[smem:$0x7FF] =	sst s2;
	s11 =	smul.u32 $0x19000, s0  }
0x9: {  	s4 =	sor.u32 s6, s28;
	s7 =	ssub.s32 $0x2, s6;
	s9 =	smul.u32 $0x1900, s6  }
0xa: {  	_ =	strace $0x80000047;
	s4 =	smul.u32 $0x1900, s4;
	s29 =	sshrl.u32 s7, $0x1  }
0xb: {  	s31 =	smul.u32 $0xC800, s6;
	s11 =	sadd.s32 s11, s8;
	s7 =	ssub.s32 s7, s29  }
.Ltmp0:
0xc: {  	s5 =	sadd.s32 s9, s5;
	s4 =	sshrl.u32 s4, $0x3;
	(pc) =	sbr.rel .LBB2_1-.Ltmp0, $4  }
0xd: {  	s9 =	sshll.u32 s5, $0x3;
	s6 =	smax.u32 s7, $0x1;
	s10 =	sadd.s32 s4, s3  }
0xe: {  	s3 =	sadd.s32 $0xF42E00, s3;
	s30 =	sadd.s32 s8, s9;
	s9 =	sadd.s32 s31, s11  }
0xf: {  	s11 =	simm.s32 $0x4;
	s4 =	sadd.s32 $0xA00, s10;
	s5 =	sadd.s32 $0xA96, s10  }
0x10: {  	s7 =	sadd.s32 $0x1900, s30;
	s8 =	sadd.s32 $0xC80, s30;
	s10 =	sadd.s32 $0x2580, s30  }
.LBB2_4:
0x11: {  	s22 =	sadd.s32 $0x1, s22  }
0x12: {  	p0 =	sne.s32 s22, s6  }
.Ltmp1:
0x13: {  	_ = 	snop;
	(pc) =	sbr.rel @!p0 .LBB2_5-.Ltmp1, $4  }
0x14: {  	_ = 	snop  }
0x15: {  	_ =	swait.ge [sflag:s21], $0x6400  }
0x16: {  	[sflag:s21] =	ssyncset.done $0x0  }
0x17: {  	[sflag:s21] =	ssyncadd.s32 $0xFFFF9C00  }
.LBB2_1:
0x18: {  	[tilespmem:s2], [sflag:$0x4] =	stream.linear.gather [hbm4b:s4+s2], $0x4B0, $0x38;
	[tilespmem:$0x1A900] =	vst v63  }
0x19: {  	_ =	swait.ge [sflag:s11], $0x4B0  }
0x1a: {  	[sflag:s11] =	ssyncset.done $0x0  }
0x1b: {  	[sflag:s11] =	ssyncadd.s32 $0xFFFFFB50  }
0x1c: {  	[tilespmem:s13], [sflag:$0x1] =	stream.indirect.gather [hbm4b:s3+s12], $0x40, s2, s12, $0xb8;
	[tilespmem:$0x1A900] =	vst v63  }
0x1d: {  	_ = 	snop  }
0x1e: {  	[tilespmem:s14], [sflag:$0x1] =	stream.indirect.gather [hbm4b:s3+s12], $0x40, s12, s12, $0xb8;
	[tilespmem:$0x1A900] =	vst v63  }
0x1f: {  	_ = 	snop  }
0x20: {  	[tilespmem:s16], [sflag:$0x1] =	stream.indirect.gather [hbm4b:s3+s12], $0x40, s15, s12, $0xb8;
	[tilespmem:$0x1A900] =	vst v63  }
0x21: {  	_ = 	snop  }
0x22: {  	[tilespmem:s17], [sflag:$0x3] =	stream.linear.gather [hbm4b:s5+s2], $0x1450, $0x38;
	[tilespmem:$0x1A900] =	vst v63  }
0x23: {  	s23 =	smov.u32 s10;
	_ =	swait.ge [sflag:s18], $0x1450  }
0x24: {  	s24 =	smov.u32 s9;
	s25 =	smov.u32 s8;
	[sflag:s18] =	ssyncset.done $0x0  }
0x25: {  	s26 =	smov.u32 s7;
	s28 =	simm.s32 $0x0;
	[sflag:s18] =	ssyncadd.s32 $0xFFFFEBB0  }
.LBB2_2:
0x26: {  	_ =	swait.ge [sflag:s19], $0x6400  }
0x27: {  	p0 =	seq.s32 s28, $0x0;
	[sflag:s19] =	ssyncset.done $0x0  }
0x28: {  	s30 =	simm.s32 @!p0 $0x2;
	[sflag:s19] =	ssyncadd.s32 $0xFFFF9C00  }
0x29: {  	[hbm4b:s24+s2] =	stream.linear.scatter [tilespmem:s13], [sflag:$0x2], $0x6400, $0x38;
	[tilespmem:$0x1A900] =	vst v63  }
0x2a: {  	_ =	swait.ge @!p0 [sflag:s30], $0x6400  }
0x2b: {  	s29 =	sshra.s32 s28, $0x2;
	[sflag:s30] =	ssyncset.done @!p0 $0x0  }
0x2c: {  	s31 =	sadd.s32 $0x4B0, s29;
	[sflag:s30] =	ssyncadd.s32 @!p0 $0xFFFF9C00  }
0x2d: {  	[tilespmem:s20], [sflag:$0x1] =	stream.indirect.gather [hbm4b:s3+s12], $0x40, s31, s12, $0xb8;
	[tilespmem:$0x1A900] =	vst v63  }
0x2e: {  	_ =	swait.ge [sflag:s19], $0x6400  }
0x2f: {  	[sflag:s19] =	ssyncset.done $0x0  }
0x30: {  	[sflag:s19] =	ssyncadd.s32 $0xFFFF9C00  }
0x31: {  	[hbm4b:s25+s2] =	stream.linear.scatter [tilespmem:s14], [sflag:$0x2], $0x6400, $0x38;
	[tilespmem:$0x1A900] =	vst v63  }
0x32: {  	p0 =	seq.s32 s28, $0x4B00;
	_ =	swait.ge [sflag:s21], $0x6400  }
0x33: {  	s30 =	sshra.s32 @!p0 s28, $0x2;
	s1 =	simm.s32 @!p0 $0x190;
	[sflag:s21] =	ssyncset.done $0x0  }
0x34: {  	s0 =	simm.s32 @!p0 $0x1900;
	s31 =	sadd.s32 @!p0 $0x640, s30;
	[sflag:s21] =	ssyncadd.s32 $0xFFFF9C00  }
0x35: {  	[tilespmem:s0], [sflag:$0x1] =	stream.indirect.gather @!p0 [hbm4b:s3+s1], $0x40, s31, s1, $0xb8;
	[tilespmem:$0x1A900] =	vst v63  }
0x36: {  	_ =	swait.ge [sflag:s19], $0x6400  }
0x37: {  	[sflag:s19] =	ssyncset.done $0x0  }
0x38: {  	[sflag:s19] =	ssyncadd.s32 $0xFFFF9C00  }
0x39: {  	[hbm4b:s26+s2] =	stream.linear.scatter [tilespmem:s16], [sflag:$0x2], $0x6400, $0x38;
	[tilespmem:$0x1A900] =	vst v63  }
0x3a: {  	_ =	swait.ge [sflag:s21], $0x6400  }
0x3b: {  	[sflag:s21] =	ssyncset.done $0x0  }
0x3c: {  	s0 =	sadd.s32 @!p0 $0x7D0, s30;
	s30 =	simm.s32 @!p0 $0x7D00;
	[sflag:s21] =	ssyncadd.s32 $0xFFFF9C00  }
0x3d: {  	[tilespmem:s30], [sflag:$0x1] =	stream.indirect.gather @!p0 [hbm4b:s3+s1], $0x40, s0, s1, $0xb8;
	[tilespmem:$0x1A900] =	vst v63  }
0x3e: {  	_ =	swait.ge [sflag:s19], $0x6400  }
0x3f: {  	[sflag:s19] =	ssyncset.done $0x0  }
.Ltmp2:
0x40: {  	[sflag:s19] =	ssyncadd.s32 $0xFFFF9C00;
	(pc) =	sbr.rel @p0 .LBB2_4-.Ltmp2, $4  }
0x41: {  	[hbm4b:s23+s2] =	stream.linear.scatter [tilespmem:s20], [sflag:$0x2], $0x6400, $0x38;
	[tilespmem:$0x1A900] =	vst v63  }
0x42: {  	_ =	swait.ge [sflag:s21], $0x6400  }
0x43: {  	[sflag:s21] =	ssyncset.done $0x0  }
0x44: {  	[sflag:s21] =	ssyncadd.s32 $0xFFFF9C00  }
.Ltmp3:
0x45: {  	(pc) =	sbr.rel .LBB2_2-.Ltmp3, $4  }
0x46: {  	_ = 	snop  }
0x47: {  	s0 =	sadd.s32 $0x960, s29;
	s28 =	sadd.s32 $0x1900, s28;
	s26 =	sadd.s32 $0x3200, s26  }
0x48: {  	s25 =	sadd.s32 $0x3200, s25;
	s24 =	sadd.s32 $0x3200, s24;
	s23 =	sadd.s32 $0x3200, s23  }
0x49: {  	[tilespmem:s16], [sflag:$0x1] =	stream.indirect.gather [hbm4b:s3+s12], $0x40, s0, s12, $0xb8;
	[tilespmem:$0x1A900] =	vst v63  }
.LBB2_5:
0x4a: {  	_ =	sfence.sel $0x180000  }
0x4b: {  	[bflag:$0x0] =	sbarrier.arrive $0xFFFF  }
0x4c: {  	_ =	strace $0x90000047  }
0x4d: {  	s0 =	stileid.u32;
	[bflag:$0x2] =	sbarrier.arrive $0xFFFF  }
0x4e: {  	p0 =	sne.s32 s0, $0x0;
	s0 =	rddreg [dreg:$0x2]  }
0x4f: {  	s0 =	sadd.s32 @!p0 $0x100000, s0  }
0x50: {  	[sflag:s0] =	ssyncadd.tile.s32 @!p0 $0x1;
	_ =	shalt  }
.Lfunc_end2:
_tile_overlayer_lowered:
.L_overlay_start_2:
0x51: {  	(tag) =	ssettag $0x2  }
0x52: {  	s0 =	rddreg [dreg:$0x0];
	s2 =	stileid.u32  }
0x53: {  	s1 =	rddreg [dreg:$0x1];
	p0 =	sne.s32 s2, $0x0  }
0x54: {  	s3 =	rddreg [dreg:$0x2];
	[bflag:$0x3] =	sbarrier.arrive $0xFFFF;
	s2 =	simm.s32 @!p0 $0x1C04  }
0x55: {  	[timem:s3], [sflag:s2] =	dma.local @!p0 [hbm:s0], s1  }
0x56: {  	s0 =	simm.s32 @!p0 $0x4  }
0x57: {  	_ =	swait.ge @!p0 [sflag:s0], s1  }
0x58: {  	s1 =	ssub.s32 @!p0 $0x0, s1;
	[sflag:s0] =	ssyncset.done @!p0 $0x0  }
0x59: {  	[sflag:s0] =	ssyncadd.s32 @!p0 s1  }
0x5a: {  	[bflag:$0x3] =	sbarrier.arrive $0xFFFF  }
0x5b: {  	_ =	shalt  }

// kernel: sparse-core-data-format-call.cloned.1.call-start
scs
called_computation_lowered:
.L_overlay_start_0:
0x0: {  	s2 =	sld [smem:$0x3FD9]  }
0x1: {  	s3 =	sld [smem:$0x3FFE];
	_ =	sdelay $0x1  }
0x2: {  	s1 =	srdreg.scid  }
0x3: {  	s0 =	sand.u32 $0x1, s1  }
0x4: {  	s18 =	sshll.u32 s0, $0xA;
	s2 =	sadd.s32 s3, s2  }
0x5: {  	s2 =	sadd.s32 s2, s18  }
0x6: {  	[smem:$0x3FC6] =	sst s2  }
0x7: {  	_ = 	snop  }
0x8: {  	s2 =	sld [smem:$0x3FD0];
	(tm) =	ssettm $0x1  }
0x9: {  	s19 =	sld [smem:$0x3FFB];
	_ =	sdelay $0x3  }
0xa: {  	_ =	strace s19  }
0xb: {  	s3 =	sld [smem:$0x3FFC];
	_ =	sdelay $0x3  }
0xc: {  	_ =	strace s3  }
0xd: {  	s3 =	sld [smem:$0x3FFD];
	_ =	sdelay $0x3  }
0xe: {  	_ =	strace s3  }
0xf: {  	_ =	strace $0x8FFFFFFF  }
0x10: {  	s20 =	sld [smem:$0x3FDB];
	_ =	sdelay $0x1  }
0x11: {  	s4 =	simm.s32 $_scs_section_size  }
0x12: {  	s5 =	simm.s32 $_size__tile_overlayer_lowered;
	s6 =	simm.s32 $_tile_overlayer_lowered  }
0x13: {  	s23 =	simm.s32 $0x1BFF;
	s22 =	sshll.u32 s6, $0x1;
	s3 =	sadd.s32 s4, s20  }
0x14: {  	s7 =	simm.s32 $0x0;
	s21 =	sshll.u32 s5, $0x1;
	s5 =	sadd.s32 s22, s3  }
0x15: {  	[timem:s7], [sflag:s23] =	dma.local [hbm:s5], s21  }
0x16: {  	_ =	swait.ge [sflag:s23], s21  }
0x17: {  	s4 =	ssub.s32 $0x0, s21;
	[sflag:s23] =	ssyncset.done $0x0  }
0x18: {  	[sflag:s23] =	ssyncadd.s32 s4;
	_ =	sdelay $0x1  }
0x19: {  	s24 =	simm.s32 $0x1B8B  }
0x1a: {  	_ =	swait.ge [sflag:s24], $0x1  }
0x1b: {  	[sflag:s24] =	ssyncset.done $0x0  }
0x1c: {  	s26 =	simm.s32 $0x1B8E;
	s25 =	sld [smem:$0x3FFE];
	[sflag:s24] =	ssyncadd.s32 $0xFFFFFFFF  }
0x1d: {  	s27 =	simm.s32 $execute0_lowered;
	[smem:$0x3FD2] =	sst s26  }
0x1e: {  	s5 =	sshll.u32 s27, $0x1;
	_ =	strace $0x80000049;
	[dreg:$0x1] =	wrdreg $0xFFFFFFFF  }
0x1f: {  	s28 =	simm.s32 $_size_execute0_lowered;
	s3 =	sadd.s32 s3, s5;
	[dreg:$0x0] =	wrdreg $0x0  }
0x20: {  	s5 =	sshll.u32 s28, $0x1;
	[dreg:$0x2] =	wrdreg s3  }
0x21: {  	[dreg:$0x3] =	wrdreg s5  }
0x22: {  	[dreg:$0x4] =	wrdreg $0xC0  }
0x23: {  	_ =	task [dreg:s7], $0x5FFFF  }
0x24: {  	[dreg:$0x1] =	wrdreg $0xFFFFFFFF  }
0x25: {  	[dreg:$0x0] =	wrdreg $0x60  }
0x26: {  	[dreg:$0x2] =	wrdreg s25  }
0x27: {  	[dreg:$0x3] =	wrdreg s2  }
0x28: {  	[dreg:$0x4] =	wrdreg $0x9  }
0x29: {  	_ =	task.clear_ibuf [dreg:s7], $0x5FFFF;
	_ =	strace $0x90000049  }
0x2a: {  	s29 =	simm.s32 $0x9;
	_ =	strace $0x8000004B  }
0x2b: {  	_ =	swait.ge [sflag:s29], $0x1  }
0x2c: {  	[sflag:s29] =	ssyncadd.s32 $0xFFFFFFFF  }
0x2d: {  	_ =	strace $0x9000004B  }
0x2e: {  	_ =	sfence  }
0x2f: {  	s30 =	sld [smem:$0x0];
	_ =	sdelay $0x2  }
0x30: {  	s31 =	sshll.u32 s1, $0xD;
	s1 =	sshrl.u32 s1, $0x2  }
0x31: {  	s3 =	sand.u32 $0x4000, s31;
	s1 =	sadd.s32 s1, s30  }
0x32: {  	s0 =	sor.u32 s3, s0;
	s1 =	sshll.u32 s1, $0x11  }
0x33: {  	s0 =	sor.u32 s1, s0  }
0x34: {  	s0 =	sadd.s32 $0x8F2B, s0  }
0x35: {  	[sflag:s0] =	ssyncadd.remote.s32 $0x1  }
0x36: {  	_ =	sfence.sel $0xFFFF  }
0x37: {  	[dreg:$0x0] =	wrdreg $0xFFFFFFFF;
	(pc) =	sbr.abs _section_cstart, $3  }
0x38: {  	[dreg:$0x1] =	wrdreg $0xFFFFFFFF  }
0x39: {  	_ =	task.clear_ibuf [dreg:s7], $0x2FFFF;
	_ =	strace $0x9FFFFFFF  }
0x3a: {  	(tm) =	ssettm $0x7FFFFFFF  }
0x3b: {  	_ =	shalt  }
tec
execute0_lowered:
.L_overlay_start_1:
0x0: {  	(tag) =	ssettag $0x1  }
0x1: {  	s0 =	srdreg.scid  }
0x2: {  	s1 =	sshll.u32 s0, $0x4  }
0x3: {  	s0 =	stileid.u32;
	s1 =	sand.u32 $0x10, s1  }
0x4: {  	s1 =	sor.u32 s0, s1  }
0x5: {  	s6 =	rddreg [dreg:$0x0];
	s4 =	simm.s32 $0x1;
	s2 =	sshll.u32 s1, $0x7  }
0x6: {  	s7 =	simm.s32 $0x2;
	s12 =	simm.s32 $0x0;
	s1 =	ssub.s32 $0x1000, s2  }
0x7: {  	s8 =	simm.s32 $0x8000;
	s13 =	simm.s32 $0x0;
	s3 =	sand.u32 $0xF80, s1  }
0x8: {  	s9 =	simm.s32 $0x0;
	s5 =	sshrl.u32 s1, $0xC;
	p0 =	sne.s32 s3, $0x0  }
.Ltmp0:
0x9: {  	s1 =	rddreg [dreg:$0x2];
	s4 =	simm.s32 @!p0 $0x0;
	(pc) =	sbr.rel .LBB1_1-.Ltmp0, $4  }
0xa: {  	s11 =	simm.s32 $0x0;
	s3 =	rddreg [dreg:$0x1];
	s5 =	sadd.s32 s4, s5  }
0xb: {  	_ =	strace $0x8000004A;
	s4 =	simm.s32 $0x1;
	s5 =	smul.u32 $0x32, s5  }
0xc: {  	s6 =	sadd.s32 $0xA00, s6;
	s10 =	smov.u32 s2;
	[sflag:s4] =	ssyncpa.u1 $0x0  }
0xd: {  	p0 =	por $0x0, $0x0;
	[sflag:s7] =	ssyncpa.u1 $0x0;
	s7 =	sor.u32 $0x1, s5  }
.LBB1_4:
0xe: {  	s16 =	sshll.u32 s13, $0x3;
	s17 =	sand.u32 $0x78, s13  }
0xf: {  	s30 =	sand.u32 $0x7E00, s13;
	s12 =	sshll.u32 s12, $0xF;
	s16 =	sand.u32 $0xC00, s16  }
0x10: {  	[tilespmem:s15+$0x810 ss:$0x81] =	vst.msk $0xffff, v2;
	s31 =	sand.u32 $0x7, s13;
	s16 =	sor.u32 s17, s16;
	s17 =	sadd.s32 s3, s30  }
0x11: {  	[tilespmem:s15+$0x1020 ss:$0x81] =	vst.msk $0xffff, v0;
	s13 =	sshll.u32 s31, $0x12;
	s12 =	sadd.s32 s12, s17;
	s16 =	sshrl.u32 s16, $0x3  }
0x12: {  	[tilespmem:s15+$0x0 ss:$0x81] =	vst.msk $0xffff, v1;
	s13 =	sor.u32 $0x400, s13;
	s12 =	sadd.s32 s16, s12  }
0x13: {  	[hbm4b:s12+s13] =	stream.strided.scatter [tilespmem:s14], [sflag:$0x2], $0x2000, s8, s13, $0x20;
	[tilespmem:$0x8080] =	vst v63  }
.LBB1_5:
0x14: {  	s14 =	sadd.s32 $0x1, s9  }
0x15: {  	s12 =	sadd.s32 $0x1000, s10;
	s16 =	smov.u32 s10;
	p2 =	sgt.s32 s14, $0x31  }
0x16: {  	s16 =	smov.u32 @p2 s12  }
0x17: {  	s14 =	simm.s32 @p2 $0x0;
	p2 =	sgt.s32 s16, $0xFFF  }
0x18: {  	s16 =	smov.u32 @p2 s2;
	p2 =	sne.s32 s11, s7  }
.Ltmp1:
0x19: {  	p1 =	slt.u32 s11, $0x2;
	(pc) =	sbr.rel @!p2 .LBB1_6-.Ltmp1, $4  }
0x1a: {  	s15 =	simm.s32 @!p1 $0x2  }
0x1b: {  	s13 =	smov.u32 s10;
	p0 =	por !p0, !p0;
	_ =	swait.ge @!p1 [sflag:s15], $0x2000  }
0x1c: {  	s12 =	smov.u32 s9;
	[sflag:s15] =	ssyncset.done @!p1 $0x0;
	s9 =	smov.u32 s14  }
0x1d: {  	s11 =	sadd.s32 $0x1, s11;
	[sflag:s15] =	ssyncadd.s32 @!p1 $0xFFFFE000;
	s10 =	smov.u32 s16  }
.LBB1_1:
0x1e: {  	p1 =	sge.u32 s11, s5  }
0x1f: {  	s14 =	sand.u32 @!p1 $0x1FFFFFF, s9  }
0x20: {  	s15 =	smulhi.u32 @!p1 $0x4924925, s14;
	_ =	sdelay $0x1  }
0x21: {  	s15 =	smul.u32 @!p1 $0x38, s15  }
0x22: {  	s16 =	sxor.u32 @!p1 $0xFFFFFFFF, s11;
	s17 =	smul.u32 @!p1 $0x380, s10  }
0x23: {  	s31 =	sadd.s32 $0xFFFFFFFF, s11;
	s16 =	sshll.u32 @!p1 s16, $0xD;
	s14 =	ssub.s32 @!p1 s14, s15  }
0x24: {  	s15 =	sand.u32 @!p1 $0x2000, s16;
	s16 =	sadd.s32 @!p1 s6, s17;
	s14 =	sshll.u32 @!p1 s14, $0x4  }
0x25: {  	s17 =	simm.s32 @!p1 $0x1C00;
	s14 =	sadd.s32 @!p1 s14, s16;
	s16 =	simm.s32 @!p1 $0x40  }
0x26: {  	[tilespmem:s15], [sflag:$0x1] =	stream.strided.gather @!p1 [hbm4b:s14+s16], $0x2000, s17, s16, $0x38;
	[tilespmem:$0x8080] =	vst v63  }
0x27: {  	p1 =	sge.u32 s31, s5  }
.Ltmp2:
0x28: {  	_ = 	snop;
	(pc) =	sbr.rel @p1 .LBB1_5-.Ltmp2, $1  }
0x29: {  	_ =	sdelay $0x3  }
0x2a: {  	s14 =	simm.s32 $0x1  }
0x2b: {  	_ =	swait.ge [sflag:s4], $0x2000;
	s14 =	simm.s32 @!p0 $0x0  }
0x2c: {  	[sflag:s4] =	ssyncset.done $0x0;
	s15 =	sshll.u32 s14, $0xD  }
0x2d: {  	[sflag:s4] =	ssyncadd.s32 $0xFFFFE000;
	s18 =	sor.u32 $0x20, s15  }
0x2e: {  	s14 =	smul.u32 $0x8100, s14;
	v3 =	vld [tilespmem:s18+$0x10]  }
0x2f: {  	s30 =	sand.u32 $0x1, s11;
	v2 =	vld [tilespmem:s18+$0xFFFFFFF0]  }
0x30: {  	s15 =	smul.u32 $0x8100, s30;
	s14 =	sshrl.u32 s14, $0x2;
	v0 =	vld [tilespmem:s18+$0x0]  }
0x31: {  	v1 =	vld [tilespmem:s18+$0xFFFFFFE0];
	s16 =	sor.u32 $0x4000, s14  }
0x32: {  	s31 =	sshrl.u32 s15, $0x2;
	s15 =	sadd.s32 $0x0, s16  }
0x33: {  	s17 =	simm.s32 $0x4;
	s18 =	sadd.s32 $0x40, s18;
	s14 =	sor.u32 $0x4000, s31;
	[tilespmem:s15+$0x1830 ss:$0x81] =	vst.msk $0xffff, v3  }
.LBB1_3:
0x34: {  	v3 =	vld [tilespmem:s18+$0x10];
	p1 =	sne.s32 s17, $0x1FC;
	[tilespmem:s15+$0x810 ss:$0x81] =	vst.msk $0xffff, v2;
	s19 =	smov.u32 s17;
	s17 =	sadd.s32 $0x4, s17  }
.Ltmp3:
0x35: {  	v2 =	vld [tilespmem:s18+$0xFFFFFFF0];
	[tilespmem:s15+$0x1020 ss:$0x81] =	vst.msk $0xffff, v0;
	(pc) =	sbr.rel @p1 .LBB1_3-.Ltmp3, $4  }
0x36: {  	v0 =	vld [tilespmem:s18+$0x0];
	[tilespmem:s15+$0x0 ss:$0x81] =	vst.msk $0xffff, v1  }
0x37: {  	s15 =	sshra.s32 s19, $0x2;
	v1 =	vld [tilespmem:s18+$0xFFFFFFE0]  }
0x38: {  	s15 =	sadd.s32 s15, s16  }
0x39: {  	s18 =	sadd.s32 $0x40, s18;
	[tilespmem:s15+$0x1830 ss:$0x81] =	vst.msk $0xffff, v3  }
.Ltmp4:
0x3a: {  	_ = 	snop;
	(pc) =	sbr.rel .LBB1_4-.Ltmp4, $1  }
0x3b: {  	_ =	sdelay $0x3  }
.LBB1_6:
0x3c: {  	_ =	sfence.sel $0x180000  }
0x3d: {  	s2 =	simm.s32 $0x1;
	[bflag:$0x0] =	sbarrier.arrive $0xFFFF  }
0x3e: {  	s31 =	simm.s32 $0x2;
	[sflag:s2] =	ssyncpa.u1 $0x1  }
0x3f: {  	[sflag:s31] =	ssyncpa.u1 $0x1  }
0x40: {  	p0 =	sne.s32 s0, $0x0;
	_ =	strace $0x9000004A  }
0x41: {  	s0 =	sadd.s32 @!p0 $0x100000, s1;
	[bflag:$0x2] =	sbarrier.arrive $0xFFFF  }
0x42: {  	[sflag:s0] =	ssyncadd.tile.s32 @!p0 $0x1;
	_ =	shalt  }
.Lfunc_end1:
_tile_overlayer_lowered:
.L_overlay_start_2:
0x43: {  	(tag) =	ssettag $0x2  }
0x44: {  	s0 =	rddreg [dreg:$0x0];
	s2 =	stileid.u32  }
0x45: {  	s1 =	rddreg [dreg:$0x1];
	p0 =	sne.s32 s2, $0x0  }
0x46: {  	s3 =	rddreg [dreg:$0x2];
	[bflag:$0x3] =	sbarrier.arrive $0xFFFF;
	s2 =	simm.s32 @!p0 $0x1C01  }
0x47: {  	[timem:s3], [sflag:s2] =	dma.local @!p0 [hbm:s0], s1  }
0x48: {  	s0 =	simm.s32 @!p0 $0x1  }
0x49: {  	_ =	swait.ge @!p0 [sflag:s0], s1  }
0x4a: {  	s1 =	ssub.s32 @!p0 $0x0, s1;
	[sflag:s0] =	ssyncset.done @!p0 $0x0  }
0x4b: {  	[sflag:s0] =	ssyncadd.s32 @!p0 s1  }
0x4c: {  	[bflag:$0x3] =	sbarrier.arrive $0xFFFF  }
0x4d: {  	_ =	shalt  }

</sc_bundles>
